<compile_context>
chip_gen: v7x
topology: tpu7x:2x2x1
jax: 0.10.2.dev20260603
libtpu: 0.0.44.dev20260713+nightly
codegen_flags: <defaults>
</compile_context>

<pallas_src>
import functools

import jax
import jax.numpy as jnp
from jax import lax
from jax.experimental import pallas as pl
from jax.experimental.pallas import tpu as pltpu
from jax.experimental.pallas import tpu_sc as plsc


def _ae_body(x_ref, enc_ref, dec_ref, rep_ref, recon_ref):
    rep = jnp.tanh(jnp.dot(x_ref[...], enc_ref[...], preferred_element_type=jnp.float32))
    rep_ref[...] = rep
    recon_ref[...] = jnp.dot(rep, dec_ref[...], preferred_element_type=jnp.float32)


def _z_body(bd_ref, repg_ref, head_ref, zg_ref):
    zg_ref[...] = jnp.dot(repg_ref[...], head_ref[0], preferred_element_type=jnp.float32)


def kernel(x_scaled, digits, W_enc, W_dec, heads):
    B, D_IN = x_scaled.shape
    REP = W_enc.shape[1]
    K, _, ZD = heads.shape
    BT = 1024
    nb = B // BT

    T = 256
    NP = B + K * T
    NBZ = NP // T
    NB48 = 48
    NW = 32
    BPW = NP // NW
    NCH = B // 16

    rep, recon = pl.pallas_call(
        _ae_body,
        grid=(nb,),
        in_specs=[
            pl.BlockSpec((BT, D_IN), lambda i: (i, 0)),
            pl.BlockSpec((D_IN, REP), lambda i: (0, 0)),
            pl.BlockSpec((REP, D_IN), lambda i: (0, 0)),
        ],
        out_specs=[
            pl.BlockSpec((BT, REP), lambda i: (i, 0)),
            pl.BlockSpec((BT, D_IN), lambda i: (i, 0)),
        ],
        out_shape=[
            jax.ShapeDtypeStruct((B, REP), jnp.float32),
            jax.ShapeDtypeStruct((B, D_IN), jnp.float32),
        ],
        compiler_params=pltpu.CompilerParams(
            dimension_semantics=("arbitrary",),
            vmem_limit_bytes=100 * 1024 * 1024,
        ),
    )(x_scaled, W_enc, W_dec)

    mesh = plsc.VectorSubcoreMesh(core_axis_name="c", subcore_axis_name="s")

    @functools.partial(
        pl.kernel,
        mesh=mesh,
        compiler_params=pltpu.CompilerParams(needs_layout_passes=False),
        out_type=[
            jax.ShapeDtypeStruct((NP,), jnp.int32),
            jax.ShapeDtypeStruct((NB48,), jnp.int32),
            jax.ShapeDtypeStruct((NP, REP), jnp.float32),
        ],
        scratch_types=[
            pltpu.VMEM((B,), jnp.int32),
            pltpu.VMEM((B + T,), jnp.int32),
            pltpu.VMEM((16,), jnp.int32),
            pltpu.VMEM((NB48,), jnp.int32),
            pltpu.VMEM((16,), jnp.int32),
            pltpu.VMEM((16, REP), jnp.float32),
            pltpu.VMEM_SHARED((16,), jnp.int32),
            pltpu.VMEM_SHARED((NB48,), jnp.int32),
            pltpu.VMEM_SHARED((NP,), jnp.int32),
            pltpu.SemaphoreType.DMA,
        ],
    )
    def route_gather(dig_hbm, rep_hbm, perm_hbm, blkdig_hbm, repg_hbm,
                     dig_v, comp_v, st_v, blk_v, idx_v, rows_v,
                     counts_sh, blkdig_sh, perm_sh, gsem):
        cid = lax.axis_index("c")
        sid = lax.axis_index("s")
        wid = sid * 2 + cid
        lanes = jnp.arange(16, dtype=jnp.int32)
        al = lambda v: pl.multiple_of(v, 16)

        @pl.when(sid == 0)
        def _zero_shared():
            st_v[...] = jnp.zeros((16,), jnp.int32)
            pltpu.sync_copy(st_v, counts_sh)
            for j in range(NB48 // 16):
                pltpu.sync_copy(st_v, blkdig_sh.at[pl.ds(16 * j, 16)])

        @pl.when(sid < K)
        def _count():
            pltpu.sync_copy(dig_hbm, dig_v)
            def body(c, acc):
                m = (dig_v[pl.ds(al(c * 16), 16)] == sid)
                return acc + jnp.sum(m.astype(jnp.int32))
            cnt = lax.fori_loop(0, NCH, body, 0)
            st_v[...] = jnp.where(lanes == sid, cnt, 0)

        plsc.subcore_barrier()

        @pl.when(sid < K)
        def _pub_counts():
            pltpu.sync_copy(st_v, counts_sh.at[lanes], add=True)

        plsc.subcore_barrier()

        pltpu.sync_copy(counts_sh, st_v)
        counts = st_v[...]
        pc = ((counts + (T - 1)) // T) * T
        incl = plsc.cumsum(pc)
        excl = incl - pc
        total_used = jnp.sum(jnp.where(lanes == (K - 1), incl, 0))
        astart = jnp.sum(jnp.where(lanes == sid, excl, 0))
        mypc = jnp.sum(jnp.where(lanes == sid, pc, 0))
        nblk = mypc // T

        @pl.when(sid < K)
        def _fill():
            sent = jnp.full((16,), B, jnp.int32)
            def zb(c, _):
                comp_v[pl.ds(al(c * 16), 16)] = sent
                return 0
            lax.fori_loop(0, (B + T) // 16, zb, 0)

            def fb(c, off):
                m = (dig_v[pl.ds(al(c * 16), 16)] == sid)
                m32 = m.astype(jnp.int32)
                rank = off + plsc.cumsum(m32) - 1
                plsc.store_scatter(comp_v, [rank], lanes + c * 16, mask=m)
                return off + jnp.sum(m32)
            lax.fori_loop(0, NCH, fb, 0)

            def db(j, _):
                src = comp_v.at[pl.ds(al(j * 16), 16)]
                pltpu.sync_copy(src, perm_sh.at[pl.ds(al(astart + j * 16), 16)])

                @pl.when(cid == 0)
                def _hbm():
                    pltpu.sync_copy(src, perm_hbm.at[pl.ds(al(astart + j * 16), 16)])
                return 0
            lax.fori_loop(0, mypc // 16, db, 0)

            for j in range(NB48 // 16):
                blk_v[pl.ds(16 * j, 16)] = jnp.zeros((16,), jnp.int32)
            bb = astart // T
            for j in range(2):
                lj = lanes + 16 * j
                plsc.store_scatter(blk_v, [bb + lj],
                                   jnp.full((16,), sid, jnp.int32),
                                   mask=lj < nblk)
            for j in range(NB48 // 16):
                pltpu.sync_copy(blk_v.at[pl.ds(16 * j, 16)],
                                blkdig_sh.at[lanes + 16 * j], add=True)

        @pl.when(sid == K)
        def _tail():
            st_v[...] = jnp.full((16,), B, jnp.int32)
            def tb(j, _):
                pltpu.sync_copy(st_v, perm_sh.at[pl.ds(al(total_used + j * 16), 16)])

                @pl.when(cid == 0)
                def _hbm():
                    pltpu.sync_copy(st_v, perm_hbm.at[pl.ds(al(total_used + j * 16), 16)])
                return 0
            lax.fori_loop(0, (NP - total_used) // 16, tb, 0)

        plsc.subcore_barrier()

        @pl.when(wid == 0)
        def _pub_blkdig():
            pltpu.sync_copy(blkdig_sh, blkdig_hbm)

        base = wid * BPW
        def gb(i, _):
            pltpu.sync_copy(perm_sh.at[pl.ds(al(base + i * 16), 16)], idx_v)
            idx_v[...] = jnp.minimum(idx_v[...], B - 1)
            pltpu.async_copy(rep_hbm.at[idx_v], rows_v, gsem).wait()
            pltpu.sync_copy(rows_v, repg_hbm.at[pl.ds(al(base + i * 16), 16)])
            return 0
        lax.fori_loop(0, BPW // 16, gb, 0)

    perm, blkdig, repg = route_gather(digits, rep)

    grid_spec = pltpu.PrefetchScalarGridSpec(
        num_scalar_prefetch=1,
        grid=(NBZ,),
        in_specs=[
            pl.BlockSpec((T, REP), lambda i, bd: (i, 0)),
            pl.BlockSpec((1, REP, ZD), lambda i, bd: (bd[i], 0, 0)),
        ],
        out_specs=pl.BlockSpec((T, ZD), lambda i, bd: (i, 0)),
    )
    zg = pl.pallas_call(
        _z_body,
        grid_spec=grid_spec,
        out_shape=jax.ShapeDtypeStruct((NP, ZD), jnp.float32),
    )(blkdig[:NBZ], repg, heads)

    @functools.partial(
        pl.kernel,
        mesh=mesh,
        compiler_params=pltpu.CompilerParams(needs_layout_passes=False),
        out_type=jax.ShapeDtypeStruct((B + 16, ZD), jnp.float32),
        scratch_types=[
            pltpu.VMEM((16,), jnp.int32),
            pltpu.VMEM((16, ZD), jnp.float32),
            pltpu.SemaphoreType.DMA,
        ],
    )
    def unscatter(perm_hbm, zg_hbm, zout_hbm, idx_v, rows_v, ssem):
        cid = lax.axis_index("c")
        sid = lax.axis_index("s")
        wid = sid * 2 + cid
        base = wid * BPW
        al = lambda v: pl.multiple_of(v, 16)
        def sb(i, _):
            pltpu.sync_copy(perm_hbm.at[pl.ds(al(base + i * 16), 16)], idx_v)
            pltpu.sync_copy(zg_hbm.at[pl.ds(al(base + i * 16), 16)], rows_v)
            pltpu.async_copy(rows_v, zout_hbm.at[idx_v], ssem).wait()
            return 0
        lax.fori_loop(0, BPW // 16, sb, 0)

    zout = unscatter(perm, zg)
    return rep, recon, zout[:B]

# --- scband reference (transcript-rebuilt; emitter-appended) ---
"""Pipeline reference for scband-euclidean-multi-sphere-svdd-52536039965244 (READ-ONLY COPY).

The authoritative reference and input builder live on the scoring server;
editing this copy changes nothing except your own understanding.
"""

import jax, jax.numpy as jnp
import numpy as np

B = 8192
D_IN = 1024
REP = 512
ZD = 128
K = 10


def setup_inputs(seed: int = 0) -> dict:
    key = jax.random.key(seed)
    k1, k2, k3, k4, k5 = jax.random.split(key, 5)
    x_scaled = jax.random.normal(k1, (B, D_IN), dtype=jnp.float32)
    digits = jax.random.randint(k2, (B,), 0, K)
    W_enc = jax.random.normal(k3, (D_IN, REP), dtype=jnp.float32) * (1.0 / np.sqrt(D_IN))
    W_dec = jax.random.normal(k4, (REP, D_IN), dtype=jnp.float32) * (1.0 / np.sqrt(REP))
    heads = jax.random.normal(k5, (K, REP, ZD), dtype=jnp.float32) * (1.0 / np.sqrt(REP))
    return {"x_scaled": x_scaled, "digits": digits, "W_enc": W_enc, "W_dec": W_dec, "heads": heads}


def reference(x_scaled, digits, W_enc, W_dec, heads):
    # Backbone AE: rep = encoder(x), recon = decoder(rep); backbone returns (rep, recon)
    rep = jnp.tanh(x_scaled @ W_enc)
    recon = rep @ W_dec
    # project_self: per-sample cluster head selection (MoE-style hard routing).
    # Equivalent to torch's masked per-head loop: compute all heads then gather by digit.
    z_all = jnp.einsum('bd,kdz->bkz', rep, heads)
    z = jnp.take_along_axis(z_all, digits[:, None, None], axis=1)[:, 0, :]
    return rep, recon, z

if __name__ == "__main__":
    import jax
    _d = setup_inputs()
    print(jax.jit(kernel)(*tuple(_d.values())))

</pallas_src>

<mosaic_0001>
#map = affine_map<(d0, d1) -> (0)>
#map1 = affine_map<(d0, d1) -> (0, 0)>
module attributes {stable_mosaic.version = 14 : i64} {
  func.func @route_gather(%arg0: i32, %arg1: i32, %arg2: memref<8192xi32, #tpu.memory_space<hbm>>, %arg3: memref<8192x512xf32, #tpu.memory_space<hbm>>, %arg4: memref<10752xi32, #tpu.memory_space<hbm>>, %arg5: memref<48xi32, #tpu.memory_space<hbm>>, %arg6: memref<10752x512xf32, #tpu.memory_space<hbm>>, %arg7: memref<8192xi32, #tpu.memory_space<vmem>>, %arg8: memref<8448xi32, #tpu.memory_space<vmem>>, %arg9: memref<16xi32, #tpu.memory_space<vmem>>, %arg10: memref<48xi32, #tpu.memory_space<vmem>>, %arg11: memref<16xi32, #tpu.memory_space<vmem>>, %arg12: memref<16x512xf32, #tpu.memory_space<vmem>>, %arg13: memref<16xi32, #tpu.memory_space<vmem_shared>>, %arg14: memref<48xi32, #tpu.memory_space<vmem_shared>>, %arg15: memref<10752xi32, #tpu.memory_space<vmem_shared>>, %arg16: memref<!tpu.dma_semaphore, #tpu.memory_space<semaphore_mem>>) attributes {dimension_semantics = [#tpu.dimension_semantics<core_parallel>, #tpu.dimension_semantics<subcore_parallel>], iteration_bounds = array<i64: 2, 16>, scalar_prefetch = 0 : i64, scratch_operands = 10 : i64, tpu.core_type = #tpu.core_type<sc_vector_subcore>, window_params = [{transform_indices = #map}, {transform_indices = #map1}, {transform_indices = #map}, {transform_indices = #map}, {transform_indices = #map1}]} {
    %mul3A = arith.constant 2 : i32
    %mul3A_0 = arith.muli %arg1, %mul3A : i32
    %add3A = arith.addi %mul3A_0, %arg0 : i32
    %iota3A = tpu.iota {dimensions = array<i32: 0>} : vector<16xi32>
    %eq3A = arith.constant 0 : i32
    %eq3A_1 = arith.cmpi eq, %arg1, %eq3A : i32
    %convert_element_type3A = arith.extui %eq3A_1 : i1 to i32
    %cond3A = arith.constant 0 : i32
    %cond3A_2 = arith.cmpi ne, %convert_element_type3A, %cond3A : i32
    scf.if %cond3A_2 {
      %broadcast_in_dim3A_120 = arith.constant 0 : i32
      %broadcast_in_dim3A_121 = vector.broadcast %broadcast_in_dim3A_120 : i32 to vector<16xi32>
      %swap3A = arith.constant 0 : index
      %swap3A_122 = tpu.vector_load %arg9[%swap3A] {strides = array<i32>} : memref<16xi32, #tpu.memory_space<vmem>>, vector<16xi32>,
      tpu.vector_store %arg9[%swap3A], %broadcast_in_dim3A_121 {strides = array<i32>} : memref<16xi32, #tpu.memory_space<vmem>>, vector<16xi32>,
      "tpu.region"() ({
        %run_scoped3A = tpu.sem_alloc : memref<!tpu.dma_semaphore, #tpu.memory_space<semaphore_mem>>
        tpu.enqueue_dma source(%arg9 : memref<16xi32, #tpu.memory_space<vmem>>) target(%arg13 : memref<16xi32, #tpu.memory_space<vmem_shared>>) target_semaphore(%run_scoped3A : memref<!tpu.dma_semaphore, #tpu.memory_space<semaphore_mem>>)
        tpu.wait_dma2 semaphore(%run_scoped3A : memref<!tpu.dma_semaphore, #tpu.memory_space<semaphore_mem>>) src(%arg9 : memref<16xi32, #tpu.memory_space<vmem>>) dst(%arg13 : memref<16xi32, #tpu.memory_space<vmem_shared>>)
        tpu.yield
      }) : () -> ()
      "tpu.region"() ({
        %run_scoped3A = tpu.sem_alloc : memref<!tpu.dma_semaphore, #tpu.memory_space<semaphore_mem>>
        %dma_start3A = arith.constant 0 : i32
        %dma_start3A_123 = tpu.memref_slice %arg14[%dma_start3A] : memref<48xi32, #tpu.memory_space<vmem_shared>> -> memref<16xi32, #tpu.memory_space<vmem_shared>>
        %dma_start3A_124 = arith.constant 0 : i32
        %dma_start3A_125 = tpu.memref_slice %arg14[%dma_start3A_124] : memref<48xi32, #tpu.memory_space<vmem_shared>> -> memref<16xi32, #tpu.memory_space<vmem_shared>>
        tpu.enqueue_dma source(%arg9 : memref<16xi32, #tpu.memory_space<vmem>>) target(%dma_start3A_125 : memref<16xi32, #tpu.memory_space<vmem_shared>>) target_semaphore(%run_scoped3A : memref<!tpu.dma_semaphore, #tpu.memory_space<semaphore_mem>>)
        %dma_wait3A = arith.constant 0 : i32
        %dma_wait3A_126 = tpu.memref_slice %arg14[%dma_wait3A] : memref<48xi32, #tpu.memory_space<vmem_shared>> -> memref<16xi32, #tpu.memory_space<vmem_shared>>
        %dma_wait3A_127 = arith.constant 0 : i32
        %dma_wait3A_128 = tpu.memref_slice %arg14[%dma_wait3A_127] : memref<48xi32, #tpu.memory_space<vmem_shared>> -> memref<16xi32, #tpu.memory_space<vmem_shared>>
        tpu.wait_dma2 semaphore(%run_scoped3A : memref<!tpu.dma_semaphore, #tpu.memory_space<semaphore_mem>>) src(%arg9 : memref<16xi32, #tpu.memory_space<vmem>>) dst(%dma_wait3A_128 : memref<16xi32, #tpu.memory_space<vmem_shared>>)
        tpu.yield
      }) : () -> ()
      "tpu.region"() ({
        %run_scoped3A = tpu.sem_alloc : memref<!tpu.dma_semaphore, #tpu.memory_space<semaphore_mem>>
        %dma_start3A = arith.constant 16 : i32
        %dma_start3A_123 = tpu.memref_slice %arg14[%dma_start3A] : memref<48xi32, #tpu.memory_space<vmem_shared>> -> memref<16xi32, #tpu.memory_space<vmem_shared>>
        %dma_start3A_124 = arith.constant 16 : i32
        %dma_start3A_125 = tpu.memref_slice %arg14[%dma_start3A_124] : memref<48xi32, #tpu.memory_space<vmem_shared>> -> memref<16xi32, #tpu.memory_space<vmem_shared>>
        tpu.enqueue_dma source(%arg9 : memref<16xi32, #tpu.memory_space<vmem>>) target(%dma_start3A_125 : memref<16xi32, #tpu.memory_space<vmem_shared>>) target_semaphore(%run_scoped3A : memref<!tpu.dma_semaphore, #tpu.memory_space<semaphore_mem>>)
        %dma_wait3A = arith.constant 16 : i32
        %dma_wait3A_126 = tpu.memref_slice %arg14[%dma_wait3A] : memref<48xi32, #tpu.memory_space<vmem_shared>> -> memref<16xi32, #tpu.memory_space<vmem_shared>>
        %dma_wait3A_127 = arith.constant 16 : i32
        %dma_wait3A_128 = tpu.memref_slice %arg14[%dma_wait3A_127] : memref<48xi32, #tpu.memory_space<vmem_shared>> -> memref<16xi32, #tpu.memory_space<vmem_shared>>
        tpu.wait_dma2 semaphore(%run_scoped3A : memref<!tpu.dma_semaphore, #tpu.memory_space<semaphore_mem>>) src(%arg9 : memref<16xi32, #tpu.memory_space<vmem>>) dst(%dma_wait3A_128 : memref<16xi32, #tpu.memory_space<vmem_shared>>)
        tpu.yield
      }) : () -> ()
      "tpu.region"() ({
        %run_scoped3A = tpu.sem_alloc : memref<!tpu.dma_semaphore, #tpu.memory_space<semaphore_mem>>
        %dma_start3A = arith.constant 32 : i32
        %dma_start3A_123 = tpu.memref_slice %arg14[%dma_start3A] : memref<48xi32, #tpu.memory_space<vmem_shared>> -> memref<16xi32, #tpu.memory_space<vmem_shared>>
        %dma_start3A_124 = arith.constant 32 : i32
        %dma_start3A_125 = tpu.memref_slice %arg14[%dma_start3A_124] : memref<48xi32, #tpu.memory_space<vmem_shared>> -> memref<16xi32, #tpu.memory_space<vmem_shared>>
        tpu.enqueue_dma source(%arg9 : memref<16xi32, #tpu.memory_space<vmem>>) target(%dma_start3A_125 : memref<16xi32, #tpu.memory_space<vmem_shared>>) target_semaphore(%run_scoped3A : memref<!tpu.dma_semaphore, #tpu.memory_space<semaphore_mem>>)
        %dma_wait3A = arith.constant 32 : i32
        %dma_wait3A_126 = tpu.memref_slice %arg14[%dma_wait3A] : memref<48xi32, #tpu.memory_space<vmem_shared>> -> memref<16xi32, #tpu.memory_space<vmem_shared>>
        %dma_wait3A_127 = arith.constant 32 : i32
        %dma_wait3A_128 = tpu.memref_slice %arg14[%dma_wait3A_127] : memref<48xi32, #tpu.memory_space<vmem_shared>> -> memref<16xi32, #tpu.memory_space<vmem_shared>>
        tpu.wait_dma2 semaphore(%run_scoped3A : memref<!tpu.dma_semaphore, #tpu.memory_space<semaphore_mem>>) src(%arg9 : memref<16xi32, #tpu.memory_space<vmem>>) dst(%dma_wait3A_128 : memref<16xi32, #tpu.memory_space<vmem_shared>>)
        tpu.yield
      }) : () -> ()
    } else {
    }
    %lt3A = arith.constant 10 : i32
    %lt3A_3 = arith.cmpi slt, %arg1, %lt3A : i32
    %convert_element_type3A_4 = arith.extui %lt3A_3 : i1 to i32
    %cond3A_5 = arith.constant 0 : i32
    %cond3A_6 = arith.cmpi ne, %convert_element_type3A_4, %cond3A_5 : i32
    scf.if %cond3A_6 {
      "tpu.region"() ({
        %run_scoped3A = tpu.sem_alloc : memref<!tpu.dma_semaphore, #tpu.memory_space<semaphore_mem>>
        tpu.enqueue_dma source(%arg2 : memref<8192xi32, #tpu.memory_space<hbm>>) target(%arg7 : memref<8192xi32, #tpu.memory_space<vmem>>) target_semaphore(%run_scoped3A : memref<!tpu.dma_semaphore, #tpu.memory_space<semaphore_mem>>)
        tpu.wait_dma2 semaphore(%run_scoped3A : memref<!tpu.dma_semaphore, #tpu.memory_space<semaphore_mem>>) src(%arg2 : memref<8192xi32, #tpu.memory_space<hbm>>) dst(%arg7 : memref<8192xi32, #tpu.memory_space<vmem>>)
        tpu.yield
      }) : () -> ()
      %scan3A_120 = arith.constant 0 : i32
      %scan3A_121 = arith.constant 0 : i32
      %scan3A_122 = arith.constant 512 : i32
      %scan3A_123 = arith.addi %scan3A_121, %scan3A_122 : i32
      %scan3A_124 = arith.constant 1 : i32
      %scan3A_125 = scf.for %scan3A_134 = %scan3A_121 to %scan3A_123 step %scan3A_124 iter_args(%scan3A_135 = %scan3A_120) -> (i32)  : i32 {
        %mul3A_136 = arith.constant 16 : i32
        %mul3A_137 = arith.muli %scan3A_134, %mul3A_136 : i32
        %multiple_of3A = tpu.assume_multiple %mul3A_137, 16 : i32
        %get3A_138 = arith.index_cast %multiple_of3A : i32 to index
        %get3A_139 = tpu.vector_load %arg7[%get3A_138] {strides = array<i32>} : memref<8192xi32, #tpu.memory_space<vmem>>, vector<16xi32>,
        %eq3A_140 = vector.broadcast %arg1 : i32 to vector<16xi32>
        %eq3A_141 = arith.cmpi eq, %get3A_139, %eq3A_140 : vector<16xi32>
        %convert_element_type3A_142 = arith.extui %eq3A_141 : vector<16xi1> to vector<16xi32>
        %reduce_sum3A_143 = arith.constant true
        %reduce_sum3A_144 = vector.broadcast %reduce_sum3A_143 : i1 to vector<16xi1>
        %reduce_sum3A_145 = tpu.scan <sum>, %convert_element_type3A_142 masked %reduce_sum3A_144 : vector<16xi32>, vector<16xi1> -> vector<16xi32>
        %reduce_sum3A_146 = vector.extract %reduce_sum3A_145[15] : i32 from vector<16xi32>
        %add3A_147 = arith.addi %scan3A_135, %reduce_sum3A_146 : i32
        scf.yield %add3A_147 : i32
      }
      %scan3A_126 = arith.constant 512 : i32
      %eq3A_127 = vector.broadcast %arg1 : i32 to vector<16xi32>
      %eq3A_128 = arith.cmpi eq, %iota3A, %eq3A_127 : vector<16xi32>
      %jit3A_129 = arith.constant 0 : i32
      %broadcast_in_dim3A_130 = vector.broadcast %scan3A_125 : i32 to vector<16xi32>
      %broadcast_in_dim3A_131 = vector.broadcast %jit3A_129 : i32 to vector<16xi32>
      %select_n3A_132 = arith.select %eq3A_128, %broadcast_in_dim3A_130, %broadcast_in_dim3A_131 : vector<16xi1>, vector<16xi32>
      %swap3A = arith.constant 0 : index
      %swap3A_133 = tpu.vector_load %arg9[%swap3A] {strides = array<i32>} : memref<16xi32, #tpu.memory_space<vmem>>, vector<16xi32>,
      tpu.vector_store %arg9[%swap3A], %select_n3A_132 {strides = array<i32>} : memref<16xi32, #tpu.memory_space<vmem>>, vector<16xi32>,
    } else {
    }
    %barrier3A = arith.constant 0 : index
    tpu.barrier barrier_id(%barrier3A)
    %lt3A_7 = arith.constant 10 : i32
    %lt3A_8 = arith.cmpi slt, %arg1, %lt3A_7 : i32
    %convert_element_type3A_9 = arith.extui %lt3A_8 : i1 to i32
    %cond3A_10 = arith.constant 0 : i32
    %cond3A_11 = arith.cmpi ne, %convert_element_type3A_9, %cond3A_10 : i32
    scf.if %cond3A_11 {
      "tpu.region"() ({
        %run_scoped3A = tpu.sem_alloc : memref<!tpu.dma_semaphore, #tpu.memory_space<semaphore_mem>>
        %dma_start3A = arith.constant 0 : i32
        %dma_start3A_120 = tpu.memref_slice %arg13[%dma_start3A] : memref<16xi32, #tpu.memory_space<vmem_shared>> -> memref<16xi32, #tpu.memory_space<vmem_shared>>
        tpu.enqueue_indirect_dma source(%arg9 : memref<16xi32, #tpu.memory_space<vmem>>) target(%dma_start3A_120 : memref<16xi32, #tpu.memory_space<vmem_shared>>) offsets(%iota3A : vector<16xi32>) semaphore(%run_scoped3A : memref<!tpu.dma_semaphore, #tpu.memory_space<semaphore_mem>>) {add = true}
        %dma_wait3A = arith.constant 0 : i32
        %dma_wait3A_121 = tpu.memref_slice %arg13[%dma_wait3A] : memref<16xi32, #tpu.memory_space<vmem_shared>> -> memref<16xi32, #tpu.memory_space<vmem_shared>>
        tpu.wait_indirect_dma semaphore(%run_scoped3A : memref<!tpu.dma_semaphore, #tpu.memory_space<semaphore_mem>>) src(%arg9 : memref<16xi32, #tpu.memory_space<vmem>>) dst(%dma_wait3A_121 : memref<16xi32, #tpu.memory_space<vmem_shared>>)
        tpu.yield
      }) : () -> ()
    } else {
    }
    %barrier3A_12 = arith.constant 0 : index
    tpu.barrier barrier_id(%barrier3A_12)
    "tpu.region"() ({
      %run_scoped3A = tpu.sem_alloc : memref<!tpu.dma_semaphore, #tpu.memory_space<semaphore_mem>>
      tpu.enqueue_dma source(%arg13 : memref<16xi32, #tpu.memory_space<vmem_shared>>) target(%arg9 : memref<16xi32, #tpu.memory_space<vmem>>) target_semaphore(%run_scoped3A : memref<!tpu.dma_semaphore, #tpu.memory_space<semaphore_mem>>)
      tpu.wait_dma2 semaphore(%run_scoped3A : memref<!tpu.dma_semaphore, #tpu.memory_space<semaphore_mem>>) src(%arg13 : memref<16xi32, #tpu.memory_space<vmem_shared>>) dst(%arg9 : memref<16xi32, #tpu.memory_space<vmem>>)
      tpu.yield
    }) : () -> ()
    %get3A = arith.constant 0 : index
    %get3A_13 = tpu.vector_load %arg9[%get3A] {strides = array<i32>} : memref<16xi32, #tpu.memory_space<vmem>>, vector<16xi32>,
    %add3A_14 = arith.constant 255 : i32
    %add3A_15 = vector.broadcast %add3A_14 : i32 to vector<16xi32>
    %add3A_16 = arith.addi %get3A_13, %add3A_15 : vector<16xi32>
    %jit3A = arith.constant 256 : i32
    %div3A = vector.broadcast %jit3A : i32 to vector<16xi32>
    %div3A_17 = arith.divsi %add3A_16, %div3A : vector<16xi32>
    %sign3A = arith.constant 0 : i32
    %sign3A_18 = vector.broadcast %sign3A : i32 to vector<16xi32>
    %sign3A_19 = arith.cmpi sgt, %add3A_16, %sign3A_18 : vector<16xi32>
    %sign3A_20 = arith.extui %sign3A_19 : vector<16xi1> to vector<16xi32>
    %sign3A_21 = arith.constant 0 : i32
    %sign3A_22 = vector.broadcast %sign3A_21 : i32 to vector<16xi32>
    %sign3A_23 = arith.cmpi slt, %add3A_16, %sign3A_22 : vector<16xi32>
    %sign3A_24 = arith.extui %sign3A_23 : vector<16xi1> to vector<16xi32>
    %sign3A_25 = arith.subi %sign3A_20, %sign3A_24 : vector<16xi32>
    %sign3A_26 = arith.constant 0 : i32
    %sign3A_27 = arith.cmpi sgt, %jit3A, %sign3A_26 : i32
    %sign3A_28 = arith.extui %sign3A_27 : i1 to i32
    %sign3A_29 = arith.constant 0 : i32
    %sign3A_30 = arith.cmpi slt, %jit3A, %sign3A_29 : i32
    %sign3A_31 = arith.extui %sign3A_30 : i1 to i32
    %sign3A_32 = arith.subi %sign3A_28, %sign3A_31 : i32
    %ne3A = vector.broadcast %sign3A_32 : i32 to vector<16xi32>
    %ne3A_33 = arith.cmpi ne, %sign3A_25, %ne3A : vector<16xi32>
    %rem3A = vector.broadcast %jit3A : i32 to vector<16xi32>
    %rem3A_34 = arith.remsi %add3A_16, %rem3A : vector<16xi32>
    %ne3A_35 = arith.constant 0 : i32
    %ne3A_36 = vector.broadcast %ne3A_35 : i32 to vector<16xi32>
    %ne3A_37 = arith.cmpi ne, %rem3A_34, %ne3A_36 : vector<16xi32>
    %and3A = arith.andi %ne3A_33, %ne3A_37 : vector<16xi1>
    %sub3A = arith.constant 1 : i32
    %sub3A_38 = vector.broadcast %sub3A : i32 to vector<16xi32>
    %sub3A_39 = arith.subi %div3A_17, %sub3A_38 : vector<16xi32>
    %select_n3A = arith.select %and3A, %sub3A_39, %div3A_17 : vector<16xi1>, vector<16xi32>
    %mul3A_40 = arith.constant 256 : i32
    %mul3A_41 = vector.broadcast %mul3A_40 : i32 to vector<16xi32>
    %mul3A_42 = arith.muli %select_n3A, %mul3A_41 : vector<16xi32>
    %broadcast_in_dim3A = arith.constant true
    %broadcast_in_dim3A_43 = vector.broadcast %broadcast_in_dim3A : i1 to vector<16xi1>
    %masked_cumsum3A = tpu.scan <sum>, %mul3A_42 masked %broadcast_in_dim3A_43 : vector<16xi32>, vector<16xi1> -> vector<16xi32>
    %sub3A_44 = arith.subi %masked_cumsum3A, %mul3A_42 : vector<16xi32>
    %eq3A_45 = arith.constant 9 : i32
    %eq3A_46 = vector.broadcast %eq3A_45 : i32 to vector<16xi32>
    %eq3A_47 = arith.cmpi eq, %iota3A, %eq3A_46 : vector<16xi32>
    %jit3A_48 = arith.constant 0 : i32
    %broadcast_in_dim3A_49 = vector.broadcast %jit3A_48 : i32 to vector<16xi32>
    %select_n3A_50 = arith.select %eq3A_47, %masked_cumsum3A, %broadcast_in_dim3A_49 : vector<16xi1>, vector<16xi32>
    %reduce_sum3A = arith.constant true
    %reduce_sum3A_51 = vector.broadcast %reduce_sum3A : i1 to vector<16xi1>
    %reduce_sum3A_52 = tpu.scan <sum>, %select_n3A_50 masked %reduce_sum3A_51 : vector<16xi32>, vector<16xi1> -> vector<16xi32>
    %reduce_sum3A_53 = vector.extract %reduce_sum3A_52[15] : i32 from vector<16xi32>
    %eq3A_54 = vector.broadcast %arg1 : i32 to vector<16xi32>
    %eq3A_55 = arith.cmpi eq, %iota3A, %eq3A_54 : vector<16xi32>
    %jit3A_56 = arith.constant 0 : i32
    %broadcast_in_dim3A_57 = vector.broadcast %jit3A_56 : i32 to vector<16xi32>
    %select_n3A_58 = arith.select %eq3A_55, %sub3A_44, %broadcast_in_dim3A_57 : vector<16xi1>, vector<16xi32>
    %reduce_sum3A_59 = arith.constant true
    %reduce_sum3A_60 = vector.broadcast %reduce_sum3A_59 : i1 to vector<16xi1>
    %reduce_sum3A_61 = tpu.scan <sum>, %select_n3A_58 masked %reduce_sum3A_60 : vector<16xi32>, vector<16xi1> -> vector<16xi32>
    %reduce_sum3A_62 = vector.extract %reduce_sum3A_61[15] : i32 from vector<16xi32>
    %eq3A_63 = vector.broadcast %arg1 : i32 to vector<16xi32>
    %eq3A_64 = arith.cmpi eq, %iota3A, %eq3A_63 : vector<16xi32>
    %jit3A_65 = arith.constant 0 : i32
    %broadcast_in_dim3A_66 = vector.broadcast %jit3A_65 : i32 to vector<16xi32>
    %select_n3A_67 = arith.select %eq3A_64, %mul3A_42, %broadcast_in_dim3A_66 : vector<16xi1>, vector<16xi32>
    %reduce_sum3A_68 = arith.constant true
    %reduce_sum3A_69 = vector.broadcast %reduce_sum3A_68 : i1 to vector<16xi1>
    %reduce_sum3A_70 = tpu.scan <sum>, %select_n3A_67 masked %reduce_sum3A_69 : vector<16xi32>, vector<16xi1> -> vector<16xi32>
    %reduce_sum3A_71 = vector.extract %reduce_sum3A_70[15] : i32 from vector<16xi32>
    %jit3A_72 = arith.constant 256 : i32
    %div3A_73 = arith.divsi %reduce_sum3A_71, %jit3A_72 : i32
    %sign3A_74 = arith.constant 0 : i32
    %sign3A_75 = arith.cmpi sgt, %reduce_sum3A_71, %sign3A_74 : i32
    %sign3A_76 = arith.extui %sign3A_75 : i1 to i32
    %sign3A_77 = arith.constant 0 : i32
    %sign3A_78 = arith.cmpi slt, %reduce_sum3A_71, %sign3A_77 : i32
    %sign3A_79 = arith.extui %sign3A_78 : i1 to i32
    %sign3A_80 = arith.subi %sign3A_76, %sign3A_79 : i32
    %sign3A_81 = arith.constant 0 : i32
    %sign3A_82 = arith.cmpi sgt, %jit3A_72, %sign3A_81 : i32
    %sign3A_83 = arith.extui %sign3A_82 : i1 to i32
    %sign3A_84 = arith.constant 0 : i32
    %sign3A_85 = arith.cmpi slt, %jit3A_72, %sign3A_84 : i32
    %sign3A_86 = arith.extui %sign3A_85 : i1 to i32
    %sign3A_87 = arith.subi %sign3A_83, %sign3A_86 : i32
    %ne3A_88 = arith.cmpi ne, %sign3A_80, %sign3A_87 : i32
    %rem3A_89 = arith.remsi %reduce_sum3A_71, %jit3A_72 : i32
    %ne3A_90 = arith.constant 0 : i32
    %ne3A_91 = arith.cmpi ne, %rem3A_89, %ne3A_90 : i32
    %and3A_92 = arith.andi %ne3A_88, %ne3A_91 : i1
    %sub3A_93 = arith.constant 1 : i32
    %sub3A_94 = arith.subi %div3A_73, %sub3A_93 : i32
    %select_n3A_95 = arith.select %and3A_92, %sub3A_94, %div3A_73 : i32
    %lt3A_96 = arith.constant 10 : i32
    %lt3A_97 = arith.cmpi slt, %arg1, %lt3A_96 : i32
    %convert_element_type3A_98 = arith.extui %lt3A_97 : i1 to i32
    %cond3A_99 = arith.constant 0 : i32
    %cond3A_100 = arith.cmpi ne, %convert_element_type3A_98, %cond3A_99 : i32
    scf.if %cond3A_100 {
      %broadcast_in_dim3A_120 = arith.constant 8192 : i32
      %broadcast_in_dim3A_121 = vector.broadcast %broadcast_in_dim3A_120 : i32 to vector<16xi32>
      %scan3A_122 = arith.constant 0 : i32
      %scan3A_123 = arith.constant 0 : i32
      %scan3A_124 = arith.constant 528 : i32
      %scan3A_125 = arith.addi %scan3A_123, %scan3A_124 : i32
      %scan3A_126 = arith.constant 1 : i32
      %scan3A_127 = scf.for %scan3A_231 = %scan3A_123 to %scan3A_125 step %scan3A_126 iter_args(%scan3A_232 = %scan3A_122) -> (i32)  : i32 {
        %mul3A_233 = arith.constant 16 : i32
        %mul3A_234 = arith.muli %scan3A_231, %mul3A_233 : i32
        %multiple_of3A = tpu.assume_multiple %mul3A_234, 16 : i32
        %swap3A_235 = arith.index_cast %multiple_of3A : i32 to index
        %swap3A_236 = tpu.vector_load %arg8[%swap3A_235] {strides = array<i32>} : memref<8448xi32, #tpu.memory_space<vmem>>, vector<16xi32>,
        tpu.vector_store %arg8[%swap3A_235], %broadcast_in_dim3A_121 {strides = array<i32>} : memref<8448xi32, #tpu.memory_space<vmem>>, vector<16xi32>,
        %scan3A_237 = arith.constant 0 : i32
        scf.yield %scan3A_237 : i32
      }
      %scan3A_128 = arith.constant 528 : i32
      %scan3A_129 = arith.constant 0 : i32
      %scan3A_130 = arith.constant 0 : i32
      %scan3A_131 = arith.constant 512 : i32
      %scan3A_132 = arith.addi %scan3A_130, %scan3A_131 : i32
      %scan3A_133 = arith.constant 1 : i32
      %scan3A_134 = scf.for %scan3A_231 = %scan3A_130 to %scan3A_132 step %scan3A_133 iter_args(%scan3A_232 = %scan3A_129) -> (i32)  : i32 {
        %mul3A_233 = arith.constant 16 : i32
        %mul3A_234 = arith.muli %scan3A_231, %mul3A_233 : i32
        %multiple_of3A = tpu.assume_multiple %mul3A_234, 16 : i32
        %get3A_235 = arith.index_cast %multiple_of3A : i32 to index
        %get3A_236 = tpu.vector_load %arg7[%get3A_235] {strides = array<i32>} : memref<8192xi32, #tpu.memory_space<vmem>>, vector<16xi32>,
        %eq3A_237 = vector.broadcast %arg1 : i32 to vector<16xi32>
        %eq3A_238 = arith.cmpi eq, %get3A_236, %eq3A_237 : vector<16xi32>
        %convert_element_type3A_239 = arith.extui %eq3A_238 : vector<16xi1> to vector<16xi32>
        %broadcast_in_dim3A_240 = arith.constant true
        %broadcast_in_dim3A_241 = vector.broadcast %broadcast_in_dim3A_240 : i1 to vector<16xi1>
        %masked_cumsum3A_242 = tpu.scan <sum>, %convert_element_type3A_239 masked %broadcast_in_dim3A_241 : vector<16xi32>, vector<16xi1> -> vector<16xi32>
        %add3A_243 = vector.broadcast %scan3A_232 : i32 to vector<16xi32>
        %add3A_244 = arith.addi %add3A_243, %masked_cumsum3A_242 : vector<16xi32>
        %sub3A_245 = arith.constant 1 : i32
        %sub3A_246 = vector.broadcast %sub3A_245 : i32 to vector<16xi32>
        %sub3A_247 = arith.subi %add3A_244, %sub3A_246 : vector<16xi32>
        %mul3A_248 = arith.constant 16 : i32
        %mul3A_249 = arith.muli %scan3A_231, %mul3A_248 : i32
        %add3A_250 = vector.broadcast %mul3A_249 : i32 to vector<16xi32>
        %add3A_251 = arith.addi %iota3A, %add3A_250 : vector<16xi32>
        tpu.vector_store_idx %arg8[%sub3A_247], %add3A_251 masked %eq3A_238 : memref<8448xi32, #tpu.memory_space<vmem>>[vector<16xi32>], vector<16xi32>, vector<16xi1>
        %reduce_sum3A_252 = arith.constant true
        %reduce_sum3A_253 = vector.broadcast %reduce_sum3A_252 : i1 to vector<16xi1>
        %reduce_sum3A_254 = tpu.scan <sum>, %convert_element_type3A_239 masked %reduce_sum3A_253 : vector<16xi32>, vector<16xi1> -> vector<16xi32>
        %reduce_sum3A_255 = vector.extract %reduce_sum3A_254[15] : i32 from vector<16xi32>
        %add3A_256 = arith.addi %scan3A_232, %reduce_sum3A_255 : i32
        scf.yield %add3A_256 : i32
      }
      %scan3A_135 = arith.constant 512 : i32
      %jit3A_136 = arith.constant 16 : i32
      %div3A_137 = arith.divsi %reduce_sum3A_71, %jit3A_136 : i32
      %sign3A_138 = arith.constant 0 : i32
      %sign3A_139 = arith.cmpi sgt, %reduce_sum3A_71, %sign3A_138 : i32
      %sign3A_140 = arith.extui %sign3A_139 : i1 to i32
      %sign3A_141 = arith.constant 0 : i32
      %sign3A_142 = arith.cmpi slt, %reduce_sum3A_71, %sign3A_141 : i32
      %sign3A_143 = arith.extui %sign3A_142 : i1 to i32
      %sign3A_144 = arith.subi %sign3A_140, %sign3A_143 : i32
      %sign3A_145 = arith.constant 0 : i32
      %sign3A_146 = arith.cmpi sgt, %jit3A_136, %sign3A_145 : i32
      %sign3A_147 = arith.extui %sign3A_146 : i1 to i32
      %sign3A_148 = arith.constant 0 : i32
      %sign3A_149 = arith.cmpi slt, %jit3A_136, %sign3A_148 : i32
      %sign3A_150 = arith.extui %sign3A_149 : i1 to i32
      %sign3A_151 = arith.subi %sign3A_147, %sign3A_150 : i32
      %ne3A_152 = arith.cmpi ne, %sign3A_144, %sign3A_151 : i32
      %rem3A_153 = arith.remsi %reduce_sum3A_71, %jit3A_136 : i32
      %ne3A_154 = arith.constant 0 : i32
      %ne3A_155 = arith.cmpi ne, %rem3A_153, %ne3A_154 : i32
      %and3A_156 = arith.andi %ne3A_152, %ne3A_155 : i1
      %sub3A_157 = arith.constant 1 : i32
      %sub3A_158 = arith.subi %div3A_137, %sub3A_157 : i32
      %select_n3A_159 = arith.select %and3A_156, %sub3A_158, %div3A_137 : i32
      %while3A = arith.constant 0 : i32
      %while3A_160 = arith.constant 0 : i32
      %while3A_161 = arith.subi %select_n3A_159, %while3A : i32
      %while3A_162 = arith.addi %while3A, %while3A_161 : i32
      %while3A_163 = arith.constant 1 : i32
      %while3A_164 = arith.divsi %while3A_161, %while3A_163 : i32
      %while3A_165 = arith.muli %while3A_164, %while3A_163 : i32
      %while3A_166 = arith.addi %while3A, %while3A_165 : i32
      %while3A_167 = arith.constant 1 : i32
      %while3A_168 = scf.for %while3A_231 = %while3A to %while3A_166 step %while3A_167 iter_args(%while3A_232 = %while3A_160) -> (i32)  : i32 {
        %mul3A_233 = arith.constant 16 : i32
        %mul3A_234 = arith.muli %while3A_231, %mul3A_233 : i32
        %multiple_of3A = tpu.assume_multiple %mul3A_234, 16 : i32
        %mul3A_235 = arith.constant 16 : i32
        %mul3A_236 = arith.muli %while3A_231, %mul3A_235 : i32
        %add3A_237 = arith.addi %reduce_sum3A_62, %mul3A_236 : i32
        %multiple_of3A_238 = tpu.assume_multiple %add3A_237, 16 : i32
        "tpu.region"() ({
          %run_scoped3A = tpu.sem_alloc : memref<!tpu.dma_semaphore, #tpu.memory_space<semaphore_mem>>
          %dma_start3A = tpu.memref_slice %arg8[%multiple_of3A] : memref<8448xi32, #tpu.memory_space<vmem>> -> memref<16xi32, #tpu.memory_space<vmem>>
          %dma_start3A_245 = tpu.memref_slice %arg15[%multiple_of3A_238] : memref<10752xi32, #tpu.memory_space<vmem_shared>> -> memref<16xi32, #tpu.memory_space<vmem_shared>>
          %dma_start3A_246 = tpu.memref_slice %arg15[%multiple_of3A_238] : memref<10752xi32, #tpu.memory_space<vmem_shared>> -> memref<16xi32, #tpu.memory_space<vmem_shared>>
          %dma_start3A_247 = tpu.memref_slice %arg8[%multiple_of3A] : memref<8448xi32, #tpu.memory_space<vmem>> -> memref<16xi32, #tpu.memory_space<vmem>>
          tpu.enqueue_dma source(%dma_start3A_247 : memref<16xi32, #tpu.memory_space<vmem>>) target(%dma_start3A_246 : memref<16xi32, #tpu.memory_space<vmem_shared>>) target_semaphore(%run_scoped3A : memref<!tpu.dma_semaphore, #tpu.memory_space<semaphore_mem>>)
          %dma_wait3A = tpu.memref_slice %arg8[%multiple_of3A] : memref<8448xi32, #tpu.memory_space<vmem>> -> memref<16xi32, #tpu.memory_space<vmem>>
          %dma_wait3A_248 = tpu.memref_slice %arg15[%multiple_of3A_238] : memref<10752xi32, #tpu.memory_space<vmem_shared>> -> memref<16xi32, #tpu.memory_space<vmem_shared>>
          %dma_wait3A_249 = tpu.memref_slice %arg15[%multiple_of3A_238] : memref<10752xi32, #tpu.memory_space<vmem_shared>> -> memref<16xi32, #tpu.memory_space<vmem_shared>>
          %dma_wait3A_250 = tpu.memref_slice %arg8[%multiple_of3A] : memref<8448xi32, #tpu.memory_space<vmem>> -> memref<16xi32, #tpu.memory_space<vmem>>
          tpu.wait_dma2 semaphore(%run_scoped3A : memref<!tpu.dma_semaphore, #tpu.memory_space<semaphore_mem>>) src(%dma_wait3A_250 : memref<16xi32, #tpu.memory_space<vmem>>) dst(%dma_wait3A_249 : memref<16xi32, #tpu.memory_space<vmem_shared>>)
          tpu.yield
        }) : () -> ()
        %eq3A_239 = arith.constant 0 : i32
        %eq3A_240 = arith.cmpi eq, %arg0, %eq3A_239 : i32
        %convert_element_type3A_241 = arith.extui %eq3A_240 : i1 to i32
        %cond3A_242 = arith.constant 0 : i32
        %cond3A_243 = arith.cmpi ne, %convert_element_type3A_241, %cond3A_242 : i32
        scf.if %cond3A_243 {
          %mul3A_245 = arith.constant 16 : i32
          %mul3A_246 = arith.muli %while3A_231, %mul3A_245 : i32
          %add3A_247 = arith.addi %reduce_sum3A_62, %mul3A_246 : i32
          %multiple_of3A_248 = tpu.assume_multiple %add3A_247, 16 : i32
          "tpu.region"() ({
            %run_scoped3A = tpu.sem_alloc : memref<!tpu.dma_semaphore, #tpu.memory_space<semaphore_mem>>
            %dma_start3A = tpu.memref_slice %arg8[%multiple_of3A] : memref<8448xi32, #tpu.memory_space<vmem>> -> memref<16xi32, #tpu.memory_space<vmem>>
            %dma_start3A_249 = tpu.memref_slice %arg4[%multiple_of3A_248] : memref<10752xi32, #tpu.memory_space<hbm>> -> memref<16xi32, #tpu.memory_space<hbm>>
            %dma_start3A_250 = tpu.memref_slice %arg4[%multiple_of3A_248] : memref<10752xi32, #tpu.memory_space<hbm>> -> memref<16xi32, #tpu.memory_space<hbm>>
            %dma_start3A_251 = tpu.memref_slice %arg8[%multiple_of3A] : memref<8448xi32, #tpu.memory_space<vmem>> -> memref<16xi32, #tpu.memory_space<vmem>>
            tpu.enqueue_dma source(%dma_start3A_251 : memref<16xi32, #tpu.memory_space<vmem>>) target(%dma_start3A_250 : memref<16xi32, #tpu.memory_space<hbm>>) target_semaphore(%run_scoped3A : memref<!tpu.dma_semaphore, #tpu.memory_space<semaphore_mem>>)
            %dma_wait3A = tpu.memref_slice %arg8[%multiple_of3A] : memref<8448xi32, #tpu.memory_space<vmem>> -> memref<16xi32, #tpu.memory_space<vmem>>
            %dma_wait3A_252 = tpu.memref_slice %arg4[%multiple_of3A_248] : memref<10752xi32, #tpu.memory_space<hbm>> -> memref<16xi32, #tpu.memory_space<hbm>>
            %dma_wait3A_253 = tpu.memref_slice %arg4[%multiple_of3A_248] : memref<10752xi32, #tpu.memory_space<hbm>> -> memref<16xi32, #tpu.memory_space<hbm>>
            %dma_wait3A_254 = tpu.memref_slice %arg8[%multiple_of3A] : memref<8448xi32, #tpu.memory_space<vmem>> -> memref<16xi32, #tpu.memory_space<vmem>>
            tpu.wait_dma2 semaphore(%run_scoped3A : memref<!tpu.dma_semaphore, #tpu.memory_space<semaphore_mem>>) src(%dma_wait3A_254 : memref<16xi32, #tpu.memory_space<vmem>>) dst(%dma_wait3A_253 : memref<16xi32, #tpu.memory_space<hbm>>)
            tpu.yield
          }) : () -> ()
        } else {
        }
        %while3A_244 = arith.constant 0 : i32
        scf.yield %while3A_244 : i32
      }
      %while3A_169 = arith.constant 1 : i32
      %while3A_170 = scf.for %while3A_231 = %while3A_166 to %while3A_162 step %while3A_169 iter_args(%while3A_232 = %while3A_168) -> (i32)  : i32 {
        %mul3A_233 = arith.constant 16 : i32
        %mul3A_234 = arith.muli %while3A_231, %mul3A_233 : i32
        %multiple_of3A = tpu.assume_multiple %mul3A_234, 16 : i32
        %mul3A_235 = arith.constant 16 : i32
        %mul3A_236 = arith.muli %while3A_231, %mul3A_235 : i32
        %add3A_237 = arith.addi %reduce_sum3A_62, %mul3A_236 : i32
        %multiple_of3A_238 = tpu.assume_multiple %add3A_237, 16 : i32
        "tpu.region"() ({
          %run_scoped3A = tpu.sem_alloc : memref<!tpu.dma_semaphore, #tpu.memory_space<semaphore_mem>>
          %dma_start3A = tpu.memref_slice %arg8[%multiple_of3A] : memref<8448xi32, #tpu.memory_space<vmem>> -> memref<16xi32, #tpu.memory_space<vmem>>
          %dma_start3A_245 = tpu.memref_slice %arg15[%multiple_of3A_238] : memref<10752xi32, #tpu.memory_space<vmem_shared>> -> memref<16xi32, #tpu.memory_space<vmem_shared>>
          %dma_start3A_246 = tpu.memref_slice %arg15[%multiple_of3A_238] : memref<10752xi32, #tpu.memory_space<vmem_shared>> -> memref<16xi32, #tpu.memory_space<vmem_shared>>
          %dma_start3A_247 = tpu.memref_slice %arg8[%multiple_of3A] : memref<8448xi32, #tpu.memory_space<vmem>> -> memref<16xi32, #tpu.memory_space<vmem>>
          tpu.enqueue_dma source(%dma_start3A_247 : memref<16xi32, #tpu.memory_space<vmem>>) target(%dma_start3A_246 : memref<16xi32, #tpu.memory_space<vmem_shared>>) target_semaphore(%run_scoped3A : memref<!tpu.dma_semaphore, #tpu.memory_space<semaphore_mem>>)
          %dma_wait3A = tpu.memref_slice %arg8[%multiple_of3A] : memref<8448xi32, #tpu.memory_space<vmem>> -> memref<16xi32, #tpu.memory_space<vmem>>
          %dma_wait3A_248 = tpu.memref_slice %arg15[%multiple_of3A_238] : memref<10752xi32, #tpu.memory_space<vmem_shared>> -> memref<16xi32, #tpu.memory_space<vmem_shared>>
          %dma_wait3A_249 = tpu.memref_slice %arg15[%multiple_of3A_238] : memref<10752xi32, #tpu.memory_space<vmem_shared>> -> memref<16xi32, #tpu.memory_space<vmem_shared>>
          %dma_wait3A_250 = tpu.memref_slice %arg8[%multiple_of3A] : memref<8448xi32, #tpu.memory_space<vmem>> -> memref<16xi32, #tpu.memory_space<vmem>>
          tpu.wait_dma2 semaphore(%run_scoped3A : memref<!tpu.dma_semaphore, #tpu.memory_space<semaphore_mem>>) src(%dma_wait3A_250 : memref<16xi32, #tpu.memory_space<vmem>>) dst(%dma_wait3A_249 : memref<16xi32, #tpu.memory_space<vmem_shared>>)
          tpu.yield
        }) : () -> ()
        %eq3A_239 = arith.constant 0 : i32
        %eq3A_240 = arith.cmpi eq, %arg0, %eq3A_239 : i32
        %convert_element_type3A_241 = arith.extui %eq3A_240 : i1 to i32
        %cond3A_242 = arith.constant 0 : i32
        %cond3A_243 = arith.cmpi ne, %convert_element_type3A_241, %cond3A_242 : i32
        scf.if %cond3A_243 {
          %mul3A_245 = arith.constant 16 : i32
          %mul3A_246 = arith.muli %while3A_231, %mul3A_245 : i32
          %add3A_247 = arith.addi %reduce_sum3A_62, %mul3A_246 : i32
          %multiple_of3A_248 = tpu.assume_multiple %add3A_247, 16 : i32
          "tpu.region"() ({
            %run_scoped3A = tpu.sem_alloc : memref<!tpu.dma_semaphore, #tpu.memory_space<semaphore_mem>>
            %dma_start3A = tpu.memref_slice %arg8[%multiple_of3A] : memref<8448xi32, #tpu.memory_space<vmem>> -> memref<16xi32, #tpu.memory_space<vmem>>
            %dma_start3A_249 = tpu.memref_slice %arg4[%multiple_of3A_248] : memref<10752xi32, #tpu.memory_space<hbm>> -> memref<16xi32, #tpu.memory_space<hbm>>
            %dma_start3A_250 = tpu.memref_slice %arg4[%multiple_of3A_248] : memref<10752xi32, #tpu.memory_space<hbm>> -> memref<16xi32, #tpu.memory_space<hbm>>
            %dma_start3A_251 = tpu.memref_slice %arg8[%multiple_of3A] : memref<8448xi32, #tpu.memory_space<vmem>> -> memref<16xi32, #tpu.memory_space<vmem>>
            tpu.enqueue_dma source(%dma_start3A_251 : memref<16xi32, #tpu.memory_space<vmem>>) target(%dma_start3A_250 : memref<16xi32, #tpu.memory_space<hbm>>) target_semaphore(%run_scoped3A : memref<!tpu.dma_semaphore, #tpu.memory_space<semaphore_mem>>)
            %dma_wait3A = tpu.memref_slice %arg8[%multiple_of3A] : memref<8448xi32, #tpu.memory_space<vmem>> -> memref<16xi32, #tpu.memory_space<vmem>>
            %dma_wait3A_252 = tpu.memref_slice %arg4[%multiple_of3A_248] : memref<10752xi32, #tpu.memory_space<hbm>> -> memref<16xi32, #tpu.memory_space<hbm>>
            %dma_wait3A_253 = tpu.memref_slice %arg4[%multiple_of3A_248] : memref<10752xi32, #tpu.memory_space<hbm>> -> memref<16xi32, #tpu.memory_space<hbm>>
            %dma_wait3A_254 = tpu.memref_slice %arg8[%multiple_of3A] : memref<8448xi32, #tpu.memory_space<vmem>> -> memref<16xi32, #tpu.memory_space<vmem>>
            tpu.wait_dma2 semaphore(%run_scoped3A : memref<!tpu.dma_semaphore, #tpu.memory_space<semaphore_mem>>) src(%dma_wait3A_254 : memref<16xi32, #tpu.memory_space<vmem>>) dst(%dma_wait3A_253 : memref<16xi32, #tpu.memory_space<hbm>>)
            tpu.yield
          }) : () -> ()
        } else {
        }
        %while3A_244 = arith.constant 0 : i32
        scf.yield %while3A_244 : i32
      }
      %broadcast_in_dim3A_171 = arith.constant 0 : i32
      %broadcast_in_dim3A_172 = vector.broadcast %broadcast_in_dim3A_171 : i32 to vector<16xi32>
      %swap3A = arith.constant 0 : index
      %swap3A_173 = tpu.vector_load %arg10[%swap3A] {strides = array<i32>} : memref<48xi32, #tpu.memory_space<vmem>>, vector<16xi32>,
      tpu.vector_store %arg10[%swap3A], %broadcast_in_dim3A_172 {strides = array<i32>} : memref<48xi32, #tpu.memory_space<vmem>>, vector<16xi32>,
      %broadcast_in_dim3A_174 = arith.constant 0 : i32
      %broadcast_in_dim3A_175 = vector.broadcast %broadcast_in_dim3A_174 : i32 to vector<16xi32>
      %swap3A_176 = arith.constant 16 : index
      %swap3A_177 = tpu.vector_load %arg10[%swap3A_176] {strides = array<i32>} : memref<48xi32, #tpu.memory_space<vmem>>, vector<16xi32>,
      tpu.vector_store %arg10[%swap3A_176], %broadcast_in_dim3A_175 {strides = array<i32>} : memref<48xi32, #tpu.memory_space<vmem>>, vector<16xi32>,
      %broadcast_in_dim3A_178 = arith.constant 0 : i32
      %broadcast_in_dim3A_179 = vector.broadcast %broadcast_in_dim3A_178 : i32 to vector<16xi32>
      %swap3A_180 = arith.constant 32 : index
      %swap3A_181 = tpu.vector_load %arg10[%swap3A_180] {strides = array<i32>} : memref<48xi32, #tpu.memory_space<vmem>>, vector<16xi32>,
      tpu.vector_store %arg10[%swap3A_180], %broadcast_in_dim3A_179 {strides = array<i32>} : memref<48xi32, #tpu.memory_space<vmem>>, vector<16xi32>,
      %jit3A_182 = arith.constant 256 : i32
      %div3A_183 = arith.divsi %reduce_sum3A_62, %jit3A_182 : i32
      %sign3A_184 = arith.constant 0 : i32
      %sign3A_185 = arith.cmpi sgt, %reduce_sum3A_62, %sign3A_184 : i32
      %sign3A_186 = arith.extui %sign3A_185 : i1 to i32
      %sign3A_187 = arith.constant 0 : i32
      %sign3A_188 = arith.cmpi slt, %reduce_sum3A_62, %sign3A_187 : i32
      %sign3A_189 = arith.extui %sign3A_188 : i1 to i32
      %sign3A_190 = arith.subi %sign3A_186, %sign3A_189 : i32
      %sign3A_191 = arith.constant 0 : i32
      %sign3A_192 = arith.cmpi sgt, %jit3A_182, %sign3A_191 : i32
      %sign3A_193 = arith.extui %sign3A_192 : i1 to i32
      %sign3A_194 = arith.constant 0 : i32
      %sign3A_195 = arith.cmpi slt, %jit3A_182, %sign3A_194 : i32
      %sign3A_196 = arith.extui %sign3A_195 : i1 to i32
      %sign3A_197 = arith.subi %sign3A_193, %sign3A_196 : i32
      %ne3A_198 = arith.cmpi ne, %sign3A_190, %sign3A_197 : i32
      %rem3A_199 = arith.remsi %reduce_sum3A_62, %jit3A_182 : i32
      %ne3A_200 = arith.constant 0 : i32
      %ne3A_201 = arith.cmpi ne, %rem3A_199, %ne3A_200 : i32
      %and3A_202 = arith.andi %ne3A_198, %ne3A_201 : i1
      %sub3A_203 = arith.constant 1 : i32
      %sub3A_204 = arith.subi %div3A_183, %sub3A_203 : i32
      %select_n3A_205 = arith.select %and3A_202, %sub3A_204, %div3A_183 : i32
      %add3A_206 = arith.constant 0 : i32
      %add3A_207 = vector.broadcast %add3A_206 : i32 to vector<16xi32>
      %add3A_208 = arith.addi %iota3A, %add3A_207 : vector<16xi32>
      %add3A_209 = vector.broadcast %select_n3A_205 : i32 to vector<16xi32>
      %add3A_210 = arith.addi %add3A_209, %add3A_208 : vector<16xi32>
      %broadcast_in_dim3A_211 = vector.broadcast %arg1 : i32 to vector<16xi32>
      %lt3A_212 = vector.broadcast %select_n3A_95 : i32 to vector<16xi32>
      %lt3A_213 = arith.cmpi slt, %add3A_208, %lt3A_212 : vector<16xi32>
      tpu.vector_store_idx %arg10[%add3A_210], %broadcast_in_dim3A_211 masked %lt3A_213 : memref<48xi32, #tpu.memory_space<vmem>>[vector<16xi32>], vector<16xi32>, vector<16xi1>
      %add3A_214 = arith.constant 16 : i32
      %add3A_215 = vector.broadcast %add3A_214 : i32 to vector<16xi32>
      %add3A_216 = arith.addi %iota3A, %add3A_215 : vector<16xi32>
      %add3A_217 = vector.broadcast %select_n3A_205 : i32 to vector<16xi32>
      %add3A_218 = arith.addi %add3A_217, %add3A_216 : vector<16xi32>
      %broadcast_in_dim3A_219 = vector.broadcast %arg1 : i32 to vector<16xi32>
      %lt3A_220 = vector.broadcast %select_n3A_95 : i32 to vector<16xi32>
      %lt3A_221 = arith.cmpi slt, %add3A_216, %lt3A_220 : vector<16xi32>
      tpu.vector_store_idx %arg10[%add3A_218], %broadcast_in_dim3A_219 masked %lt3A_221 : memref<48xi32, #tpu.memory_space<vmem>>[vector<16xi32>], vector<16xi32>, vector<16xi1>
      %add3A_222 = arith.constant 0 : i32
      %add3A_223 = vector.broadcast %add3A_222 : i32 to vector<16xi32>
      %add3A_224 = arith.addi %iota3A, %add3A_223 : vector<16xi32>
      "tpu.region"() ({
        %run_scoped3A = tpu.sem_alloc : memref<!tpu.dma_semaphore, #tpu.memory_space<semaphore_mem>>
        %dma_start3A = arith.constant 0 : i32
        %dma_start3A_231 = tpu.memref_slice %arg10[%dma_start3A] : memref<48xi32, #tpu.memory_space<vmem>> -> memref<16xi32, #tpu.memory_space<vmem>>
        %dma_start3A_232 = arith.constant 0 : i32
        %dma_start3A_233 = tpu.memref_slice %arg14[%dma_start3A_232] : memref<48xi32, #tpu.memory_space<vmem_shared>> -> memref<48xi32, #tpu.memory_space<vmem_shared>>
        tpu.enqueue_indirect_dma source(%dma_start3A_231 : memref<16xi32, #tpu.memory_space<vmem>>) target(%dma_start3A_233 : memref<48xi32, #tpu.memory_space<vmem_shared>>) offsets(%add3A_224 : vector<16xi32>) semaphore(%run_scoped3A : memref<!tpu.dma_semaphore, #tpu.memory_space<semaphore_mem>>) {add = true}
        %dma_wait3A = arith.constant 0 : i32
        %dma_wait3A_234 = tpu.memref_slice %arg10[%dma_wait3A] : memref<48xi32, #tpu.memory_space<vmem>> -> memref<16xi32, #tpu.memory_space<vmem>>
        %dma_wait3A_235 = arith.constant 0 : i32
        %dma_wait3A_236 = tpu.memref_slice %arg14[%dma_wait3A_235] : memref<48xi32, #tpu.memory_space<vmem_shared>> -> memref<48xi32, #tpu.memory_space<vmem_shared>>
        tpu.wait_indirect_dma semaphore(%run_scoped3A : memref<!tpu.dma_semaphore, #tpu.memory_space<semaphore_mem>>) src(%dma_wait3A_234 : memref<16xi32, #tpu.memory_space<vmem>>) dst(%dma_wait3A_236 : memref<48xi32, #tpu.memory_space<vmem_shared>>)
        tpu.yield
      }) : () -> ()
      %add3A_225 = arith.constant 16 : i32
      %add3A_226 = vector.broadcast %add3A_225 : i32 to vector<16xi32>
      %add3A_227 = arith.addi %iota3A, %add3A_226 : vector<16xi32>
      "tpu.region"() ({
        %run_scoped3A = tpu.sem_alloc : memref<!tpu.dma_semaphore, #tpu.memory_space<semaphore_mem>>
        %dma_start3A = arith.constant 16 : i32
        %dma_start3A_231 = tpu.memref_slice %arg10[%dma_start3A] : memref<48xi32, #tpu.memory_space<vmem>> -> memref<16xi32, #tpu.memory_space<vmem>>
        %dma_start3A_232 = arith.constant 0 : i32
        %dma_start3A_233 = tpu.memref_slice %arg14[%dma_start3A_232] : memref<48xi32, #tpu.memory_space<vmem_shared>> -> memref<48xi32, #tpu.memory_space<vmem_shared>>
        tpu.enqueue_indirect_dma source(%dma_start3A_231 : memref<16xi32, #tpu.memory_space<vmem>>) target(%dma_start3A_233 : memref<48xi32, #tpu.memory_space<vmem_shared>>) offsets(%add3A_227 : vector<16xi32>) semaphore(%run_scoped3A : memref<!tpu.dma_semaphore, #tpu.memory_space<semaphore_mem>>) {add = true}
        %dma_wait3A = arith.constant 16 : i32
        %dma_wait3A_234 = tpu.memref_slice %arg10[%dma_wait3A] : memref<48xi32, #tpu.memory_space<vmem>> -> memref<16xi32, #tpu.memory_space<vmem>>
        %dma_wait3A_235 = arith.constant 0 : i32
        %dma_wait3A_236 = tpu.memref_slice %arg14[%dma_wait3A_235] : memref<48xi32, #tpu.memory_space<vmem_shared>> -> memref<48xi32, #tpu.memory_space<vmem_shared>>
        tpu.wait_indirect_dma semaphore(%run_scoped3A : memref<!tpu.dma_semaphore, #tpu.memory_space<semaphore_mem>>) src(%dma_wait3A_234 : memref<16xi32, #tpu.memory_space<vmem>>) dst(%dma_wait3A_236 : memref<48xi32, #tpu.memory_space<vmem_shared>>)
        tpu.yield
      }) : () -> ()
      %add3A_228 = arith.constant 32 : i32
      %add3A_229 = vector.broadcast %add3A_228 : i32 to vector<16xi32>
      %add3A_230 = arith.addi %iota3A, %add3A_229 : vector<16xi32>
      "tpu.region"() ({
        %run_scoped3A = tpu.sem_alloc : memref<!tpu.dma_semaphore, #tpu.memory_space<semaphore_mem>>
        %dma_start3A = arith.constant 32 : i32
        %dma_start3A_231 = tpu.memref_slice %arg10[%dma_start3A] : memref<48xi32, #tpu.memory_space<vmem>> -> memref<16xi32, #tpu.memory_space<vmem>>
        %dma_start3A_232 = arith.constant 0 : i32
        %dma_start3A_233 = tpu.memref_slice %arg14[%dma_start3A_232] : memref<48xi32, #tpu.memory_space<vmem_shared>> -> memref<48xi32, #tpu.memory_space<vmem_shared>>
        tpu.enqueue_indirect_dma source(%dma_start3A_231 : memref<16xi32, #tpu.memory_space<vmem>>) target(%dma_start3A_233 : memref<48xi32, #tpu.memory_space<vmem_shared>>) offsets(%add3A_230 : vector<16xi32>) semaphore(%run_scoped3A : memref<!tpu.dma_semaphore, #tpu.memory_space<semaphore_mem>>) {add = true}
        %dma_wait3A = arith.constant 32 : i32
        %dma_wait3A_234 = tpu.memref_slice %arg10[%dma_wait3A] : memref<48xi32, #tpu.memory_space<vmem>> -> memref<16xi32, #tpu.memory_space<vmem>>
        %dma_wait3A_235 = arith.constant 0 : i32
        %dma_wait3A_236 = tpu.memref_slice %arg14[%dma_wait3A_235] : memref<48xi32, #tpu.memory_space<vmem_shared>> -> memref<48xi32, #tpu.memory_space<vmem_shared>>
        tpu.wait_indirect_dma semaphore(%run_scoped3A : memref<!tpu.dma_semaphore, #tpu.memory_space<semaphore_mem>>) src(%dma_wait3A_234 : memref<16xi32, #tpu.memory_space<vmem>>) dst(%dma_wait3A_236 : memref<48xi32, #tpu.memory_space<vmem_shared>>)
        tpu.yield
      }) : () -> ()
    } else {
    }
    %eq3A_101 = arith.constant 10 : i32
    %eq3A_102 = arith.cmpi eq, %arg1, %eq3A_101 : i32
    %convert_element_type3A_103 = arith.extui %eq3A_102 : i1 to i32
    %cond3A_104 = arith.constant 0 : i32
    %cond3A_105 = arith.cmpi ne, %convert_element_type3A_103, %cond3A_104 : i32
    scf.if %cond3A_105 {
      %broadcast_in_dim3A_120 = arith.constant 8192 : i32
      %broadcast_in_dim3A_121 = vector.broadcast %broadcast_in_dim3A_120 : i32 to vector<16xi32>
      %swap3A = arith.constant 0 : index
      %swap3A_122 = tpu.vector_load %arg9[%swap3A] {strides = array<i32>} : memref<16xi32, #tpu.memory_space<vmem>>, vector<16xi32>,
      tpu.vector_store %arg9[%swap3A], %broadcast_in_dim3A_121 {strides = array<i32>} : memref<16xi32, #tpu.memory_space<vmem>>, vector<16xi32>,
      %sub3A_123 = arith.constant 10752 : i32
      %sub3A_124 = arith.subi %sub3A_123, %reduce_sum3A_53 : i32
      %jit3A_125 = arith.constant 16 : i32
      %div3A_126 = arith.divsi %sub3A_124, %jit3A_125 : i32
      %sign3A_127 = arith.constant 0 : i32
      %sign3A_128 = arith.cmpi sgt, %sub3A_124, %sign3A_127 : i32
      %sign3A_129 = arith.extui %sign3A_128 : i1 to i32
      %sign3A_130 = arith.constant 0 : i32
      %sign3A_131 = arith.cmpi slt, %sub3A_124, %sign3A_130 : i32
      %sign3A_132 = arith.extui %sign3A_131 : i1 to i32
      %sign3A_133 = arith.subi %sign3A_129, %sign3A_132 : i32
      %sign3A_134 = arith.constant 0 : i32
      %sign3A_135 = arith.cmpi sgt, %jit3A_125, %sign3A_134 : i32
      %sign3A_136 = arith.extui %sign3A_135 : i1 to i32
      %sign3A_137 = arith.constant 0 : i32
      %sign3A_138 = arith.cmpi slt, %jit3A_125, %sign3A_137 : i32
      %sign3A_139 = arith.extui %sign3A_138 : i1 to i32
      %sign3A_140 = arith.subi %sign3A_136, %sign3A_139 : i32
      %ne3A_141 = arith.cmpi ne, %sign3A_133, %sign3A_140 : i32
      %rem3A_142 = arith.remsi %sub3A_124, %jit3A_125 : i32
      %ne3A_143 = arith.constant 0 : i32
      %ne3A_144 = arith.cmpi ne, %rem3A_142, %ne3A_143 : i32
      %and3A_145 = arith.andi %ne3A_141, %ne3A_144 : i1
      %sub3A_146 = arith.constant 1 : i32
      %sub3A_147 = arith.subi %div3A_126, %sub3A_146 : i32
      %select_n3A_148 = arith.select %and3A_145, %sub3A_147, %div3A_126 : i32
      %while3A = arith.constant 0 : i32
      %while3A_149 = arith.constant 0 : i32
      %while3A_150 = arith.subi %select_n3A_148, %while3A : i32
      %while3A_151 = arith.addi %while3A, %while3A_150 : i32
      %while3A_152 = arith.constant 1 : i32
      %while3A_153 = arith.divsi %while3A_150, %while3A_152 : i32
      %while3A_154 = arith.muli %while3A_153, %while3A_152 : i32
      %while3A_155 = arith.addi %while3A, %while3A_154 : i32
      %while3A_156 = arith.constant 1 : i32
      %while3A_157 = scf.for %while3A_160 = %while3A to %while3A_155 step %while3A_156 iter_args(%while3A_161 = %while3A_149) -> (i32)  : i32 {
        %mul3A_162 = arith.constant 16 : i32
        %mul3A_163 = arith.muli %while3A_160, %mul3A_162 : i32
        %add3A_164 = arith.addi %reduce_sum3A_53, %mul3A_163 : i32
        %multiple_of3A = tpu.assume_multiple %add3A_164, 16 : i32
        "tpu.region"() ({
          %run_scoped3A = tpu.sem_alloc : memref<!tpu.dma_semaphore, #tpu.memory_space<semaphore_mem>>
          %dma_start3A = tpu.memref_slice %arg15[%multiple_of3A] : memref<10752xi32, #tpu.memory_space<vmem_shared>> -> memref<16xi32, #tpu.memory_space<vmem_shared>>
          %dma_start3A_171 = tpu.memref_slice %arg15[%multiple_of3A] : memref<10752xi32, #tpu.memory_space<vmem_shared>> -> memref<16xi32, #tpu.memory_space<vmem_shared>>
          tpu.enqueue_dma source(%arg9 : memref<16xi32, #tpu.memory_space<vmem>>) target(%dma_start3A_171 : memref<16xi32, #tpu.memory_space<vmem_shared>>) target_semaphore(%run_scoped3A : memref<!tpu.dma_semaphore, #tpu.memory_space<semaphore_mem>>)
          %dma_wait3A = tpu.memref_slice %arg15[%multiple_of3A] : memref<10752xi32, #tpu.memory_space<vmem_shared>> -> memref<16xi32, #tpu.memory_space<vmem_shared>>
          %dma_wait3A_172 = tpu.memref_slice %arg15[%multiple_of3A] : memref<10752xi32, #tpu.memory_space<vmem_shared>> -> memref<16xi32, #tpu.memory_space<vmem_shared>>
          tpu.wait_dma2 semaphore(%run_scoped3A : memref<!tpu.dma_semaphore, #tpu.memory_space<semaphore_mem>>) src(%arg9 : memref<16xi32, #tpu.memory_space<vmem>>) dst(%dma_wait3A_172 : memref<16xi32, #tpu.memory_space<vmem_shared>>)
          tpu.yield
        }) : () -> ()
        %eq3A_165 = arith.constant 0 : i32
        %eq3A_166 = arith.cmpi eq, %arg0, %eq3A_165 : i32
        %convert_element_type3A_167 = arith.extui %eq3A_166 : i1 to i32
        %cond3A_168 = arith.constant 0 : i32
        %cond3A_169 = arith.cmpi ne, %convert_element_type3A_167, %cond3A_168 : i32
        scf.if %cond3A_169 {
          %mul3A_171 = arith.constant 16 : i32
          %mul3A_172 = arith.muli %while3A_160, %mul3A_171 : i32
          %add3A_173 = arith.addi %reduce_sum3A_53, %mul3A_172 : i32
          %multiple_of3A_174 = tpu.assume_multiple %add3A_173, 16 : i32
          "tpu.region"() ({
            %run_scoped3A = tpu.sem_alloc : memref<!tpu.dma_semaphore, #tpu.memory_space<semaphore_mem>>
            %dma_start3A = tpu.memref_slice %arg4[%multiple_of3A_174] : memref<10752xi32, #tpu.memory_space<hbm>> -> memref<16xi32, #tpu.memory_space<hbm>>
            %dma_start3A_175 = tpu.memref_slice %arg4[%multiple_of3A_174] : memref<10752xi32, #tpu.memory_space<hbm>> -> memref<16xi32, #tpu.memory_space<hbm>>
            tpu.enqueue_dma source(%arg9 : memref<16xi32, #tpu.memory_space<vmem>>) target(%dma_start3A_175 : memref<16xi32, #tpu.memory_space<hbm>>) target_semaphore(%run_scoped3A : memref<!tpu.dma_semaphore, #tpu.memory_space<semaphore_mem>>)
            %dma_wait3A = tpu.memref_slice %arg4[%multiple_of3A_174] : memref<10752xi32, #tpu.memory_space<hbm>> -> memref<16xi32, #tpu.memory_space<hbm>>
            %dma_wait3A_176 = tpu.memref_slice %arg4[%multiple_of3A_174] : memref<10752xi32, #tpu.memory_space<hbm>> -> memref<16xi32, #tpu.memory_space<hbm>>
            tpu.wait_dma2 semaphore(%run_scoped3A : memref<!tpu.dma_semaphore, #tpu.memory_space<semaphore_mem>>) src(%arg9 : memref<16xi32, #tpu.memory_space<vmem>>) dst(%dma_wait3A_176 : memref<16xi32, #tpu.memory_space<hbm>>)
            tpu.yield
          }) : () -> ()
        } else {
        }
        %while3A_170 = arith.constant 0 : i32
        scf.yield %while3A_170 : i32
      }
      %while3A_158 = arith.constant 1 : i32
      %while3A_159 = scf.for %while3A_160 = %while3A_155 to %while3A_151 step %while3A_158 iter_args(%while3A_161 = %while3A_157) -> (i32)  : i32 {
        %mul3A_162 = arith.constant 16 : i32
        %mul3A_163 = arith.muli %while3A_160, %mul3A_162 : i32
        %add3A_164 = arith.addi %reduce_sum3A_53, %mul3A_163 : i32
        %multiple_of3A = tpu.assume_multiple %add3A_164, 16 : i32
        "tpu.region"() ({
          %run_scoped3A = tpu.sem_alloc : memref<!tpu.dma_semaphore, #tpu.memory_space<semaphore_mem>>
          %dma_start3A = tpu.memref_slice %arg15[%multiple_of3A] : memref<10752xi32, #tpu.memory_space<vmem_shared>> -> memref<16xi32, #tpu.memory_space<vmem_shared>>
          %dma_start3A_171 = tpu.memref_slice %arg15[%multiple_of3A] : memref<10752xi32, #tpu.memory_space<vmem_shared>> -> memref<16xi32, #tpu.memory_space<vmem_shared>>
          tpu.enqueue_dma source(%arg9 : memref<16xi32, #tpu.memory_space<vmem>>) target(%dma_start3A_171 : memref<16xi32, #tpu.memory_space<vmem_shared>>) target_semaphore(%run_scoped3A : memref<!tpu.dma_semaphore, #tpu.memory_space<semaphore_mem>>)
          %dma_wait3A = tpu.memref_slice %arg15[%multiple_of3A] : memref<10752xi32, #tpu.memory_space<vmem_shared>> -> memref<16xi32, #tpu.memory_space<vmem_shared>>
          %dma_wait3A_172 = tpu.memref_slice %arg15[%multiple_of3A] : memref<10752xi32, #tpu.memory_space<vmem_shared>> -> memref<16xi32, #tpu.memory_space<vmem_shared>>
          tpu.wait_dma2 semaphore(%run_scoped3A : memref<!tpu.dma_semaphore, #tpu.memory_space<semaphore_mem>>) src(%arg9 : memref<16xi32, #tpu.memory_space<vmem>>) dst(%dma_wait3A_172 : memref<16xi32, #tpu.memory_space<vmem_shared>>)
          tpu.yield
        }) : () -> ()
        %eq3A_165 = arith.constant 0 : i32
        %eq3A_166 = arith.cmpi eq, %arg0, %eq3A_165 : i32
        %convert_element_type3A_167 = arith.extui %eq3A_166 : i1 to i32
        %cond3A_168 = arith.constant 0 : i32
        %cond3A_169 = arith.cmpi ne, %convert_element_type3A_167, %cond3A_168 : i32
        scf.if %cond3A_169 {
          %mul3A_171 = arith.constant 16 : i32
          %mul3A_172 = arith.muli %while3A_160, %mul3A_171 : i32
          %add3A_173 = arith.addi %reduce_sum3A_53, %mul3A_172 : i32
          %multiple_of3A_174 = tpu.assume_multiple %add3A_173, 16 : i32
          "tpu.region"() ({
            %run_scoped3A = tpu.sem_alloc : memref<!tpu.dma_semaphore, #tpu.memory_space<semaphore_mem>>
            %dma_start3A = tpu.memref_slice %arg4[%multiple_of3A_174] : memref<10752xi32, #tpu.memory_space<hbm>> -> memref<16xi32, #tpu.memory_space<hbm>>
            %dma_start3A_175 = tpu.memref_slice %arg4[%multiple_of3A_174] : memref<10752xi32, #tpu.memory_space<hbm>> -> memref<16xi32, #tpu.memory_space<hbm>>
            tpu.enqueue_dma source(%arg9 : memref<16xi32, #tpu.memory_space<vmem>>) target(%dma_start3A_175 : memref<16xi32, #tpu.memory_space<hbm>>) target_semaphore(%run_scoped3A : memref<!tpu.dma_semaphore, #tpu.memory_space<semaphore_mem>>)
            %dma_wait3A = tpu.memref_slice %arg4[%multiple_of3A_174] : memref<10752xi32, #tpu.memory_space<hbm>> -> memref<16xi32, #tpu.memory_space<hbm>>
            %dma_wait3A_176 = tpu.memref_slice %arg4[%multiple_of3A_174] : memref<10752xi32, #tpu.memory_space<hbm>> -> memref<16xi32, #tpu.memory_space<hbm>>
            tpu.wait_dma2 semaphore(%run_scoped3A : memref<!tpu.dma_semaphore, #tpu.memory_space<semaphore_mem>>) src(%arg9 : memref<16xi32, #tpu.memory_space<vmem>>) dst(%dma_wait3A_176 : memref<16xi32, #tpu.memory_space<hbm>>)
            tpu.yield
          }) : () -> ()
        } else {
        }
        %while3A_170 = arith.constant 0 : i32
        scf.yield %while3A_170 : i32
      }
    } else {
    }
    %barrier3A_106 = arith.constant 0 : index
    tpu.barrier barrier_id(%barrier3A_106)
    %eq3A_107 = arith.constant 0 : i32
    %eq3A_108 = arith.cmpi eq, %add3A, %eq3A_107 : i32
    %convert_element_type3A_109 = arith.extui %eq3A_108 : i1 to i32
    %cond3A_110 = arith.constant 0 : i32
    %cond3A_111 = arith.cmpi ne, %convert_element_type3A_109, %cond3A_110 : i32
    scf.if %cond3A_111 {
      "tpu.region"() ({
        %run_scoped3A = tpu.sem_alloc : memref<!tpu.dma_semaphore, #tpu.memory_space<semaphore_mem>>
        tpu.enqueue_dma source(%arg14 : memref<48xi32, #tpu.memory_space<vmem_shared>>) target(%arg5 : memref<48xi32, #tpu.memory_space<hbm>>) target_semaphore(%run_scoped3A : memref<!tpu.dma_semaphore, #tpu.memory_space<semaphore_mem>>)
        tpu.wait_dma2 semaphore(%run_scoped3A : memref<!tpu.dma_semaphore, #tpu.memory_space<semaphore_mem>>) src(%arg14 : memref<48xi32, #tpu.memory_space<vmem_shared>>) dst(%arg5 : memref<48xi32, #tpu.memory_space<hbm>>)
        tpu.yield
      }) : () -> ()
    } else {
    }
    %mul3A_112 = arith.constant 336 : i32
    %mul3A_113 = arith.muli %add3A, %mul3A_112 : i32
    %scan3A = arith.constant 0 : i32
    %scan3A_114 = arith.constant 0 : i32
    %scan3A_115 = arith.constant 21 : i32
    %scan3A_116 = arith.addi %scan3A_114, %scan3A_115 : i32
    %scan3A_117 = arith.constant 1 : i32
    %scan3A_118 = scf.for %scan3A_120 = %scan3A_114 to %scan3A_116 step %scan3A_117 iter_args(%scan3A_121 = %scan3A) -> (i32)  : i32 {
      %mul3A_122 = arith.constant 16 : i32
      %mul3A_123 = arith.muli %scan3A_120, %mul3A_122 : i32
      %add3A_124 = arith.addi %mul3A_113, %mul3A_123 : i32
      %multiple_of3A = tpu.assume_multiple %add3A_124, 16 : i32
      "tpu.region"() ({
        %run_scoped3A = tpu.sem_alloc : memref<!tpu.dma_semaphore, #tpu.memory_space<semaphore_mem>>
        %dma_start3A_139 = tpu.memref_slice %arg15[%multiple_of3A] : memref<10752xi32, #tpu.memory_space<vmem_shared>> -> memref<16xi32, #tpu.memory_space<vmem_shared>>
        %dma_start3A_140 = tpu.memref_slice %arg15[%multiple_of3A] : memref<10752xi32, #tpu.memory_space<vmem_shared>> -> memref<16xi32, #tpu.memory_space<vmem_shared>>
        tpu.enqueue_dma source(%dma_start3A_140 : memref<16xi32, #tpu.memory_space<vmem_shared>>) target(%arg11 : memref<16xi32, #tpu.memory_space<vmem>>) target_semaphore(%run_scoped3A : memref<!tpu.dma_semaphore, #tpu.memory_space<semaphore_mem>>)
        %dma_wait3A_141 = tpu.memref_slice %arg15[%multiple_of3A] : memref<10752xi32, #tpu.memory_space<vmem_shared>> -> memref<16xi32, #tpu.memory_space<vmem_shared>>
        %dma_wait3A_142 = tpu.memref_slice %arg15[%multiple_of3A] : memref<10752xi32, #tpu.memory_space<vmem_shared>> -> memref<16xi32, #tpu.memory_space<vmem_shared>>
        tpu.wait_dma2 semaphore(%run_scoped3A : memref<!tpu.dma_semaphore, #tpu.memory_space<semaphore_mem>>) src(%dma_wait3A_142 : memref<16xi32, #tpu.memory_space<vmem_shared>>) dst(%arg11 : memref<16xi32, #tpu.memory_space<vmem>>)
        tpu.yield
      }) : () -> ()
      %get3A_125 = arith.constant 0 : index
      %get3A_126 = tpu.vector_load %arg11[%get3A_125] {strides = array<i32>} : memref<16xi32, #tpu.memory_space<vmem>>, vector<16xi32>,
      %min3A = arith.constant 8191 : i32
      %min3A_127 = vector.broadcast %min3A : i32 to vector<16xi32>
      %min3A_128 = arith.minsi %get3A_126, %min3A_127 : vector<16xi32>
      %swap3A = arith.constant 0 : index
      %swap3A_129 = tpu.vector_load %arg11[%swap3A] {strides = array<i32>} : memref<16xi32, #tpu.memory_space<vmem>>, vector<16xi32>,
      tpu.vector_store %arg11[%swap3A], %min3A_128 {strides = array<i32>} : memref<16xi32, #tpu.memory_space<vmem>>, vector<16xi32>,
      %dma_start3A = arith.constant 0 : i32
      %dma_start3A_130 = arith.constant 0 : i32
      %dma_start3A_131 = tpu.memref_slice %arg3[%dma_start3A, %dma_start3A_130] : memref<8192x512xf32, #tpu.memory_space<hbm>> -> memref<8192x512xf32, #tpu.memory_space<hbm>>
      tpu.enqueue_indirect_dma source(%dma_start3A_131 : memref<8192x512xf32, #tpu.memory_space<hbm>>) target(%arg12 : memref<16x512xf32, #tpu.memory_space<vmem>>) offsets(%arg11 : memref<16xi32, #tpu.memory_space<vmem>>) semaphore(%arg16 : memref<!tpu.dma_semaphore, #tpu.memory_space<semaphore_mem>>)
      %dma_wait3A = arith.constant 0 : i32
      %dma_wait3A_132 = arith.constant 0 : i32
      %dma_wait3A_133 = tpu.memref_slice %arg3[%dma_wait3A, %dma_wait3A_132] : memref<8192x512xf32, #tpu.memory_space<hbm>> -> memref<8192x512xf32, #tpu.memory_space<hbm>>
      tpu.wait_indirect_dma semaphore(%arg16 : memref<!tpu.dma_semaphore, #tpu.memory_space<semaphore_mem>>) src(%dma_wait3A_133 : memref<8192x512xf32, #tpu.memory_space<hbm>>) dst(%arg12 : memref<16x512xf32, #tpu.memory_space<vmem>>)
      %mul3A_134 = arith.constant 16 : i32
      %mul3A_135 = arith.muli %scan3A_120, %mul3A_134 : i32
      %add3A_136 = arith.addi %mul3A_113, %mul3A_135 : i32
      %multiple_of3A_137 = tpu.assume_multiple %add3A_136, 16 : i32
      "tpu.region"() ({
        %run_scoped3A = tpu.sem_alloc : memref<!tpu.dma_semaphore, #tpu.memory_space<semaphore_mem>>
        %dma_start3A_139 = arith.constant 0 : i32
        %dma_start3A_140 = tpu.memref_slice %arg6[%multiple_of3A_137, %dma_start3A_139] : memref<10752x512xf32, #tpu.memory_space<hbm>> -> memref<16x512xf32, #tpu.memory_space<hbm>>
        %dma_start3A_141 = arith.constant 0 : i32
        %dma_start3A_142 = tpu.memref_slice %arg6[%multiple_of3A_137, %dma_start3A_141] : memref<10752x512xf32, #tpu.memory_space<hbm>> -> memref<16x512xf32, #tpu.memory_space<hbm>>
        tpu.enqueue_dma source(%arg12 : memref<16x512xf32, #tpu.memory_space<vmem>>) target(%dma_start3A_142 : memref<16x512xf32, #tpu.memory_space<hbm>>) target_semaphore(%run_scoped3A : memref<!tpu.dma_semaphore, #tpu.memory_space<semaphore_mem>>)
        %dma_wait3A_143 = arith.constant 0 : i32
        %dma_wait3A_144 = tpu.memref_slice %arg6[%multiple_of3A_137, %dma_wait3A_143] : memref<10752x512xf32, #tpu.memory_space<hbm>> -> memref<16x512xf32, #tpu.memory_space<hbm>>
        %dma_wait3A_145 = arith.constant 0 : i32
        %dma_wait3A_146 = tpu.memref_slice %arg6[%multiple_of3A_137, %dma_wait3A_145] : memref<10752x512xf32, #tpu.memory_space<hbm>> -> memref<16x512xf32, #tpu.memory_space<hbm>>
        tpu.wait_dma2 semaphore(%run_scoped3A : memref<!tpu.dma_semaphore, #tpu.memory_space<semaphore_mem>>) src(%arg12 : memref<16x512xf32, #tpu.memory_space<vmem>>) dst(%dma_wait3A_146 : memref<16x512xf32, #tpu.memory_space<hbm>>)
        tpu.yield
      }) : () -> ()
      %scan3A_138 = arith.constant 0 : i32
      scf.yield %scan3A_138 : i32
    }
    %scan3A_119 = arith.constant 21 : i32
    return
  }
}

#map = affine_map<(d0, d1) -> (0)>
#map1 = affine_map<(d0, d1) -> (0, 0)>
module attributes {stable_mosaic.version = 14 : i64} {
  func.func @unscatter(%arg0: i32, %arg1: i32, %arg2: memref<10752xi32, #tpu.memory_space<hbm>>, %arg3: memref<10752x128xf32, #tpu.memory_space<hbm>>, %arg4: memref<8208x128xf32, #tpu.memory_space<hbm>>, %arg5: memref<16xi32, #tpu.memory_space<vmem>>, %arg6: memref<16x128xf32, #tpu.memory_space<vmem>>, %arg7: memref<!tpu.dma_semaphore, #tpu.memory_space<semaphore_mem>>) attributes {dimension_semantics = [#tpu.dimension_semantics<core_parallel>, #tpu.dimension_semantics<subcore_parallel>], iteration_bounds = array<i64: 2, 16>, scalar_prefetch = 0 : i64, scratch_operands = 3 : i64, tpu.core_type = #tpu.core_type<sc_vector_subcore>, window_params = [{transform_indices = #map}, {transform_indices = #map1}, {transform_indices = #map1}]} {
    %mul3A = arith.constant 2 : i32
    %mul3A_0 = arith.muli %arg1, %mul3A : i32
    %add3A = arith.addi %mul3A_0, %arg0 : i32
    %mul3A_1 = arith.constant 336 : i32
    %mul3A_2 = arith.muli %add3A, %mul3A_1 : i32
    %scan3A = arith.constant 0 : i32
    %scan3A_3 = arith.constant 0 : i32
    %scan3A_4 = arith.constant 21 : i32
    %scan3A_5 = arith.addi %scan3A_3, %scan3A_4 : i32
    %scan3A_6 = arith.constant 1 : i32
    %scan3A_7 = scf.for %scan3A_9 = %scan3A_3 to %scan3A_5 step %scan3A_6 iter_args(%scan3A_10 = %scan3A) -> (i32)  : i32 {
      %mul3A_11 = arith.constant 16 : i32
      %mul3A_12 = arith.muli %scan3A_9, %mul3A_11 : i32
      %add3A_13 = arith.addi %mul3A_2, %mul3A_12 : i32
      %multiple_of3A = tpu.assume_multiple %add3A_13, 16 : i32
      "tpu.region"() ({
        %run_scoped3A = tpu.sem_alloc : memref<!tpu.dma_semaphore, #tpu.memory_space<semaphore_mem>>
        %dma_start3A_23 = tpu.memref_slice %arg2[%multiple_of3A] : memref<10752xi32, #tpu.memory_space<hbm>> -> memref<16xi32, #tpu.memory_space<hbm>>
        %dma_start3A_24 = tpu.memref_slice %arg2[%multiple_of3A] : memref<10752xi32, #tpu.memory_space<hbm>> -> memref<16xi32, #tpu.memory_space<hbm>>
        tpu.enqueue_dma source(%dma_start3A_24 : memref<16xi32, #tpu.memory_space<hbm>>) target(%arg5 : memref<16xi32, #tpu.memory_space<vmem>>) target_semaphore(%run_scoped3A : memref<!tpu.dma_semaphore, #tpu.memory_space<semaphore_mem>>)
        %dma_wait3A_25 = tpu.memref_slice %arg2[%multiple_of3A] : memref<10752xi32, #tpu.memory_space<hbm>> -> memref<16xi32, #tpu.memory_space<hbm>>
        %dma_wait3A_26 = tpu.memref_slice %arg2[%multiple_of3A] : memref<10752xi32, #tpu.memory_space<hbm>> -> memref<16xi32, #tpu.memory_space<hbm>>
        tpu.wait_dma2 semaphore(%run_scoped3A : memref<!tpu.dma_semaphore, #tpu.memory_space<semaphore_mem>>) src(%dma_wait3A_26 : memref<16xi32, #tpu.memory_space<hbm>>) dst(%arg5 : memref<16xi32, #tpu.memory_space<vmem>>)
        tpu.yield
      }) : () -> ()
      %mul3A_14 = arith.constant 16 : i32
      %mul3A_15 = arith.muli %scan3A_9, %mul3A_14 : i32
      %add3A_16 = arith.addi %mul3A_2, %mul3A_15 : i32
      %multiple_of3A_17 = tpu.assume_multiple %add3A_16, 16 : i32
      "tpu.region"() ({
        %run_scoped3A = tpu.sem_alloc : memref<!tpu.dma_semaphore, #tpu.memory_space<semaphore_mem>>
        %dma_start3A_23 = arith.constant 0 : i32
        %dma_start3A_24 = tpu.memref_slice %arg3[%multiple_of3A_17, %dma_start3A_23] : memref<10752x128xf32, #tpu.memory_space<hbm>> -> memref<16x128xf32, #tpu.memory_space<hbm>>
        %dma_start3A_25 = arith.constant 0 : i32
        %dma_start3A_26 = tpu.memref_slice %arg3[%multiple_of3A_17, %dma_start3A_25] : memref<10752x128xf32, #tpu.memory_space<hbm>> -> memref<16x128xf32, #tpu.memory_space<hbm>>
        tpu.enqueue_dma source(%dma_start3A_26 : memref<16x128xf32, #tpu.memory_space<hbm>>) target(%arg6 : memref<16x128xf32, #tpu.memory_space<vmem>>) target_semaphore(%run_scoped3A : memref<!tpu.dma_semaphore, #tpu.memory_space<semaphore_mem>>)
        %dma_wait3A_27 = arith.constant 0 : i32
        %dma_wait3A_28 = tpu.memref_slice %arg3[%multiple_of3A_17, %dma_wait3A_27] : memref<10752x128xf32, #tpu.memory_space<hbm>> -> memref<16x128xf32, #tpu.memory_space<hbm>>
        %dma_wait3A_29 = arith.constant 0 : i32
        %dma_wait3A_30 = tpu.memref_slice %arg3[%multiple_of3A_17, %dma_wait3A_29] : memref<10752x128xf32, #tpu.memory_space<hbm>> -> memref<16x128xf32, #tpu.memory_space<hbm>>
        tpu.wait_dma2 semaphore(%run_scoped3A : memref<!tpu.dma_semaphore, #tpu.memory_space<semaphore_mem>>) src(%dma_wait3A_30 : memref<16x128xf32, #tpu.memory_space<hbm>>) dst(%arg6 : memref<16x128xf32, #tpu.memory_space<vmem>>)
        tpu.yield
      }) : () -> ()
      %dma_start3A = arith.constant 0 : i32
      %dma_start3A_18 = arith.constant 0 : i32
      %dma_start3A_19 = tpu.memref_slice %arg4[%dma_start3A, %dma_start3A_18] : memref<8208x128xf32, #tpu.memory_space<hbm>> -> memref<8208x128xf32, #tpu.memory_space<hbm>>
      tpu.enqueue_indirect_dma source(%arg6 : memref<16x128xf32, #tpu.memory_space<vmem>>) target(%dma_start3A_19 : memref<8208x128xf32, #tpu.memory_space<hbm>>) offsets(%arg5 : memref<16xi32, #tpu.memory_space<vmem>>) semaphore(%arg7 : memref<!tpu.dma_semaphore, #tpu.memory_space<semaphore_mem>>)
      %dma_wait3A = arith.constant 0 : i32
      %dma_wait3A_20 = arith.constant 0 : i32
      %dma_wait3A_21 = tpu.memref_slice %arg4[%dma_wait3A, %dma_wait3A_20] : memref<8208x128xf32, #tpu.memory_space<hbm>> -> memref<8208x128xf32, #tpu.memory_space<hbm>>
      tpu.wait_indirect_dma semaphore(%arg7 : memref<!tpu.dma_semaphore, #tpu.memory_space<semaphore_mem>>) src(%arg6 : memref<16x128xf32, #tpu.memory_space<vmem>>) dst(%dma_wait3A_21 : memref<8208x128xf32, #tpu.memory_space<hbm>>)
      %scan3A_22 = arith.constant 0 : i32
      scf.yield %scan3A_22 : i32
    }
    %scan3A_8 = arith.constant 21 : i32
    return
  }
}

module attributes {stable_mosaic.version = 14 : i64} {
  func.func @_z_body(%arg0: i32, %arg1: memref<42xi32, #tpu.memory_space<smem>>, %arg2: memref<256x512xf32, #tpu.memory_space<vmem>>, %arg3: memref<1x512x128xf32, #tpu.memory_space<vmem>>, %arg4: memref<256x128xf32, #tpu.memory_space<vmem>>) attributes {dimension_semantics = [#tpu.dimension_semantics<arbitrary>], iteration_bounds = array<i64: 42>, scalar_prefetch = 1 : i64, scratch_operands = 0 : i64, tpu.core_type = #tpu.core_type<tc>, window_params = [{transform_indices = @transform_0, window_bounds = array<i64: 256, 512>}, {transform_indices = @transform_1, window_bounds = array<i64: 1, 512, 128>}, {transform_indices = @transform_2, window_bounds = array<i64: 256, 128>}]} {
    %get3A = arith.constant 0 : index
    %get3A_0 = arith.constant 0 : index
    %get3A_1 = vector.load %arg2[%get3A, %get3A_0] : memref<256x512xf32, #tpu.memory_space<vmem>>, vector<256x512xf32>
    %get3A_2 = arith.constant 0 : index
    %get3A_3 = arith.constant 0 : index
    %get3A_4 = arith.constant 0 : index
    %get3A_5 = vector.load %arg3[%get3A_2, %get3A_3, %get3A_4] : memref<1x512x128xf32, #tpu.memory_space<vmem>>, vector<1x512x128xf32>
    %get3A_6 = vector.shape_cast %get3A_5 : vector<1x512x128xf32> to vector<512x128xf32>
    %dot_general3A = arith.constant dense<0.000000e+00> : vector<256x128xf32>
    %dot_general3A_7 = tpu.matmul %get3A_1, %get3A_6, %dot_general3A {dimension_numbers = #tpu.dot_dimension_numbers<[1], [0], [0], [1], [0, 0, 1, 1], [], []>, transpose_lhs_hint = false} : vector<256x512xf32>, vector<512x128xf32>, vector<256x128xf32> -> vector<256x128xf32>
    %swap3A = arith.constant 0 : index
    %swap3A_8 = arith.constant 0 : index
    %swap3A_9 = vector.load %arg4[%swap3A, %swap3A_8] : memref<256x128xf32, #tpu.memory_space<vmem>>, vector<256x128xf32>
    tpu.vector_store %arg4[%swap3A, %swap3A_8], %dot_general3A_7 {strides = array<i32>} : memref<256x128xf32, #tpu.memory_space<vmem>>, vector<256x128xf32>,
    return
  }
  func.func @transform_0(%arg0: i32, %arg1: memref<42xi32, #tpu.memory_space<smem>>) -> (i32, i32) {
    %c0_i32 = arith.constant 0 : i32
    %c0_i32_0 = arith.constant 0 : i32
    return %arg0, %c0_i32 : i32, i32
  }
  func.func @transform_1(%arg0: i32, %arg1: memref<42xi32, #tpu.memory_space<smem>>) -> (i32, i32, i32) {
    %get3A = arith.index_cast %arg0 : i32 to index
    %get3A_0 = memref.load %arg1[%get3A] : memref<42xi32, #tpu.memory_space<smem>>
    %c0_i32 = arith.constant 0 : i32
    %c0_i32_1 = arith.constant 0 : i32
    %c0_i32_2 = arith.constant 0 : i32
    return %get3A_0, %c0_i32, %c0_i32_1 : i32, i32, i32
  }
  func.func @transform_2(%arg0: i32, %arg1: memref<42xi32, #tpu.memory_space<smem>>) -> (i32, i32) {
    %c0_i32 = arith.constant 0 : i32
    %c0_i32_0 = arith.constant 0 : i32
    return %arg0, %c0_i32 : i32, i32
  }
}

module attributes {stable_mosaic.version = 14 : i64} {
  func.func @_ae_body(%arg0: i32, %arg1: memref<1024x1024xf32, #tpu.memory_space<vmem>>, %arg2: memref<1024x512xf32, #tpu.memory_space<vmem>>, %arg3: memref<512x1024xf32, #tpu.memory_space<vmem>>, %arg4: memref<1024x512xf32, #tpu.memory_space<vmem>>, %arg5: memref<1024x1024xf32, #tpu.memory_space<vmem>>) attributes {dimension_semantics = [#tpu.dimension_semantics<arbitrary>], iteration_bounds = array<i64: 8>, scalar_prefetch = 0 : i64, scratch_operands = 0 : i64, tpu.core_type = #tpu.core_type<tc>, window_params = [{transform_indices = @transform_0, window_bounds = array<i64: 1024, 1024>}, {pipeline_mode = #tpu.pipeline_mode<synchronous>, transform_indices = @transform_1, window_bounds = array<i64: 1024, 512>}, {pipeline_mode = #tpu.pipeline_mode<synchronous>, transform_indices = @transform_2, window_bounds = array<i64: 512, 1024>}, {transform_indices = @transform_3, window_bounds = array<i64: 1024, 512>}, {transform_indices = @transform_4, window_bounds = array<i64: 1024, 1024>}]} {
    %get3A = arith.constant 0 : index
    %get3A_0 = arith.constant 0 : index
    %get3A_1 = vector.load %arg1[%get3A, %get3A_0] : memref<1024x1024xf32, #tpu.memory_space<vmem>>, vector<1024x1024xf32>
    %get3A_2 = arith.constant 0 : index
    %get3A_3 = arith.constant 0 : index
    %get3A_4 = vector.load %arg2[%get3A_2, %get3A_3] : memref<1024x512xf32, #tpu.memory_space<vmem>>, vector<1024x512xf32>
    %dot_general3A = arith.constant dense<0.000000e+00> : vector<1024x512xf32>
    %dot_general3A_5 = tpu.matmul %get3A_1, %get3A_4, %dot_general3A {dimension_numbers = #tpu.dot_dimension_numbers<[1], [0], [0], [1], [0, 0, 1, 1], [], []>, transpose_lhs_hint = false} : vector<1024x1024xf32>, vector<1024x512xf32>, vector<1024x512xf32> -> vector<1024x512xf32>
    %tanh3A = math.tanh %dot_general3A_5 : vector<1024x512xf32>
    %swap3A = arith.constant 0 : index
    %swap3A_6 = arith.constant 0 : index
    %swap3A_7 = vector.load %arg4[%swap3A, %swap3A_6] : memref<1024x512xf32, #tpu.memory_space<vmem>>, vector<1024x512xf32>
    tpu.vector_store %arg4[%swap3A, %swap3A_6], %tanh3A {strides = array<i32>} : memref<1024x512xf32, #tpu.memory_space<vmem>>, vector<1024x512xf32>,
    %get3A_8 = arith.constant 0 : index
    %get3A_9 = arith.constant 0 : index
    %get3A_10 = vector.load %arg3[%get3A_8, %get3A_9] : memref<512x1024xf32, #tpu.memory_space<vmem>>, vector<512x1024xf32>
    %dot_general3A_11 = arith.constant dense<0.000000e+00> : vector<1024x1024xf32>
    %dot_general3A_12 = tpu.matmul %tanh3A, %get3A_10, %dot_general3A_11 {dimension_numbers = #tpu.dot_dimension_numbers<[1], [0], [0], [1], [0, 0, 1, 1], [], []>, transpose_lhs_hint = false} : vector<1024x512xf32>, vector<512x1024xf32>, vector<1024x1024xf32> -> vector<1024x1024xf32>
    %swap3A_13 = arith.constant 0 : index
    %swap3A_14 = arith.constant 0 : index
    %swap3A_15 = vector.load %arg5[%swap3A_13, %swap3A_14] : memref<1024x1024xf32, #tpu.memory_space<vmem>>, vector<1024x1024xf32>
    tpu.vector_store %arg5[%swap3A_13, %swap3A_14], %dot_general3A_12 {strides = array<i32>} : memref<1024x1024xf32, #tpu.memory_space<vmem>>, vector<1024x1024xf32>,
    return
  }
  func.func @transform_0(%arg0: i32) -> (i32, i32) {
    %c0_i32 = arith.constant 0 : i32
    %c0_i32_0 = arith.constant 0 : i32
    return %arg0, %c0_i32 : i32, i32
  }
  func.func @transform_1(%arg0: i32) -> (i32, i32) {
    %c0_i32 = arith.constant 0 : i32
    %c0_i32_0 = arith.constant 0 : i32
    %c0_i32_1 = arith.constant 0 : i32
    return %c0_i32, %c0_i32_0 : i32, i32
  }
  func.func @transform_2(%arg0: i32) -> (i32, i32) {
    %c0_i32 = arith.constant 0 : i32
    %c0_i32_0 = arith.constant 0 : i32
    %c0_i32_1 = arith.constant 0 : i32
    return %c0_i32, %c0_i32_0 : i32, i32
  }
  func.func @transform_3(%arg0: i32) -> (i32, i32) {
    %c0_i32 = arith.constant 0 : i32
    %c0_i32_0 = arith.constant 0 : i32
    return %arg0, %c0_i32 : i32, i32
  }
  func.func @transform_4(%arg0: i32) -> (i32, i32) {
    %c0_i32 = arith.constant 0 : i32
    %c0_i32_0 = arith.constant 0 : i32
    return %arg0, %c0_i32 : i32, i32
  }
}

</mosaic_0001>

<sc_bundles>
// kernel: kernel.6.cloned.1.call-start
scs
__scs_entry_jumppad:
0x0: {  	(pc) =	sbr.rel $0x88, $3  }
0x1: {  	(tag) =	ssettag $0x0;
	lr =	simm.s32 $0x1  }
0x2: {  	[smem:$0x3F9C] =	sst lr;
	_ =	strace $0xD0000000  }
0x3: {  	_ = 	snop  }
0x4: {  	_ = 	snop  }
0x5: {  	_ = 	snop  }
0x6: {  	_ = 	snop  }
0x7: {  	_ = 	snop  }
__scs_overlays_trampoline_lowered:
0x8: {  	[smem:$0x3FAB] =	sst s0  }
0x9: {  	[smem:$0x3FAC] =	sst s1  }
0xa: {  	[smem:$0x3FAD] =	sst s2  }
0xb: {  	[smem:$0x3FAE] =	sst s3  }
0xc: {  	[smem:$0x3FAF] =	sst s4  }
0xd: {  	[smem:$0x3FB0] =	sst s5  }
0xe: {  	[smem:$0x3FB1] =	sst s6  }
0xf: {  	[smem:$0x3FB2] =	sst s7  }
0x10: {  	[smem:$0x3FB3] =	sst s8  }
0x11: {  	[smem:$0x3FB4] =	sst s9;
	s0 =	simm.s32 @!p0 $0x0  }
0x12: {  	s1 =	sld [smem:$0x3F9A];
	s0 =	simm.s32 @p0 $0x1  }
0x13: {  	[smem:$0x3FB5] =	sst s0;
	s0 =	simm.s32 @!p1 $0x0  }
0x14: {  	s2 =	sld [smem:$0x3F99];
	s0 =	simm.s32 @p1 $0x1  }
0x15: {  	[smem:$0x3FB6] =	sst s0;
	s0 =	simm.s32 @!p2 $0x0  }
0x16: {  	s3 =	sld [smem:$0x3FDB];
	s0 =	simm.s32 @p2 $0x1  }
0x17: {  	s4 =	simm.s32 $0x1BF5;
	[smem:$0x3FB8] =	sst s0  }
0x18: {  	s0 =	sld [smem:$0x3F9B];
	_ =	swait.ge [sflag:s4], $0x0  }
0x19: {  	s7 =	sld [smem:$0x3F9C]  }
0x1a: {  	s8 =	sadd.s32 $0xFFFFE003, lr  }
0x1b: {  	s9 =	sadd.s32 $0xFFFFFEF7, lr;
	s5 =	simm.s32 $0xFFFFFFFF;
	p2 =	slt.u32 s8, $0xFFFFF086  }
0x1c: {  	p1 =	slt.u32 s9, $0xF7A;
	s5 =	simm.s32 @!p2 $0x0  }
0x1d: {  	s5 =	simm.s32 @p1 $0x1;
	p0 =	seq.s32 s7, s2  }
0x1e: {  	s7 =	smul.u32 @!p0 $0xF7A, s2;
	p2 =	seq.s32 @!p0 s5, $0x0  }
0x1f: {  	s9 =	smul.u32 $0xF7A, s1;
	s8 =	simm.s32 @!p0 $0x1BF5;
	p2 =	por !p2, p0  }
0x20: {  	[sflag:s8] =	ssyncset.s32 @!p0 $0xFFFFF086;
	s6 =	sadd.s32 @!p0 s3, s7;
	s7 =	simm.s32 @!p0 $0x108  }
0x21: {  	s3 =	sadd.s32 s3, s9;
	s6 =	sadd.s32 @!p0 $0x88, s6;
	s7 =	simm.s32 @p2 $0x1082  }
0x22: {  	[simem:s7], [sflag:s8] =	dma.local @!p0 [hbm:s6], $0xF7A  }
0x23: {  	s9 =	sor.u32 $0xD0000000, s2;
	s6 =	simm.s32 $0x108;
	_ =	swait.ge @!p0 [sflag:s8], $0x0  }
0x24: {  	s3 =	sadd.s32 $0x88, s3;
	s6 =	simm.s32 @!p1 $0x1082;
	[sflag:s4] =	ssyncset.s32 $0xFFFFF086  }
0x25: {  	[simem:s6], [sflag:s4] =	dma.local [hbm:s3], $0xF7A  }
0x26: {  	[smem:$0x3F9C] =	sst s1;
	(tag) =	ssettag s2;
	_ =	strace s9  }
0x27: {  	s1 =	sld [smem:$0x3FAC]  }
0x28: {  	s2 =	sld [smem:$0x3FAD]  }
0x29: {  	s4 =	sld [smem:$0x3FAF]  }
0x2a: {  	p0 =	seq.s32 s5, $0x0;
	s5 =	sld [smem:$0x3FB0]  }
0x2b: {  	s6 =	sld [smem:$0x3FB1]  }
0x2c: {  	s7 =	sld [smem:$0x3FB2]  }
0x2d: {  	s3 =	simm.s32 $0x108;
	s8 =	sld [smem:$0x3FB3]  }
0x2e: {  	s3 =	simm.s32 @!p0 $0x1082;
	s9 =	sld [smem:$0x3FB4]  }
0x2f: {  	lr =	sadd.s32 s0, s3;
	s0 =	sld [smem:$0x3FAB]  }
0x30: {  	s3 =	sld [smem:$0x3FAE]  }
0x31: {  	[smem:$0x3FB7] =	sst s10  }
0x32: {  	s10 =	sld [smem:$0x3FB5];
	_ =	sdelay $0x3  }
0x33: {  	p0 =	seq.s32 s10, $0x1;
	s10 =	sld [smem:$0x3FB7];
	_ =	sdelay $0x3  }
0x34: {  	[smem:$0x3FB7] =	sst s10  }
0x35: {  	s10 =	sld [smem:$0x3FB6];
	_ =	sdelay $0x3  }
0x36: {  	p1 =	seq.s32 s10, $0x1;
	s10 =	sld [smem:$0x3FB7];
	_ =	sdelay $0x3  }
0x37: {  	[smem:$0x3FB7] =	sst s10  }
0x38: {  	s10 =	sld [smem:$0x3FB8]  }
0x39: {  	_ = 	snop;
	(pc) =	sbr.ind lr, $3  }
0x3a: {  	_ = 	snop  }
0x3b: {  	_ = 	snop  }
0x3c: {  	p2 =	seq.s32 s10, $0x1;
	s10 =	sld [smem:$0x3FB7]  }
0x3d: {  	_ =	shalt  }
0x3e: {  	_ =	shalt  }
0x3f: {  	_ =	shalt  }
0x40: {  	_ =	shalt  }
0x41: {  	_ =	shalt  }
0x42: {  	_ =	shalt  }
0x43: {  	_ =	shalt  }
0x44: {  	_ =	shalt  }
0x45: {  	_ =	shalt  }
0x46: {  	_ =	shalt  }
0x47: {  	_ =	shalt  }
0x48: {  	_ =	shalt  }
0x49: {  	_ =	shalt  }
0x4a: {  	_ =	shalt  }
0x4b: {  	_ =	shalt  }
0x4c: {  	_ =	shalt  }
0x4d: {  	_ =	shalt  }
0x4e: {  	_ =	shalt  }
0x4f: {  	_ =	shalt  }
0x50: {  	_ =	shalt  }
0x51: {  	_ =	shalt  }
0x52: {  	_ =	shalt  }
0x53: {  	_ =	shalt  }
0x54: {  	_ =	shalt  }
0x55: {  	_ =	shalt  }
0x56: {  	_ =	shalt  }
0x57: {  	_ =	shalt  }
0x58: {  	_ =	shalt  }
0x59: {  	_ =	shalt  }
0x5a: {  	_ =	shalt  }
0x5b: {  	_ =	shalt  }
0x5c: {  	_ =	shalt  }
0x5d: {  	_ =	shalt  }
0x5e: {  	_ =	shalt  }
0x5f: {  	_ =	shalt  }
0x60: {  	_ =	shalt  }
0x61: {  	_ =	shalt  }
0x62: {  	_ =	shalt  }
0x63: {  	_ =	shalt  }
0x64: {  	_ =	shalt  }
0x65: {  	_ =	shalt  }
0x66: {  	_ =	shalt  }
0x67: {  	_ =	shalt  }
0x68: {  	_ =	shalt  }
0x69: {  	_ =	shalt  }
0x6a: {  	_ =	shalt  }
0x6b: {  	_ =	shalt  }
0x6c: {  	_ =	shalt  }
0x6d: {  	_ =	shalt  }
0x6e: {  	_ =	shalt  }
0x6f: {  	_ =	shalt  }
0x70: {  	_ =	shalt  }
0x71: {  	_ =	shalt  }
0x72: {  	_ =	shalt  }
0x73: {  	_ =	shalt  }
0x74: {  	_ =	shalt  }
0x75: {  	_ =	shalt  }
0x76: {  	_ =	shalt  }
0x77: {  	_ =	shalt  }
0x78: {  	_ =	shalt  }
0x79: {  	_ =	shalt  }
0x7a: {  	_ =	shalt  }
0x7b: {  	_ =	shalt  }
0x7c: {  	_ =	shalt  }
0x7d: {  	_ =	shalt  }
0x7e: {  	_ =	shalt  }
0x7f: {  	_ =	shalt  }
0x80: {  	_ =	shalt  }
0x81: {  	_ =	shalt  }
0x82: {  	_ =	shalt  }
0x83: {  	_ =	shalt  }
0x84: {  	_ =	shalt  }
0x85: {  	_ =	shalt  }
0x86: {  	_ =	shalt  }
0x87: {  	_ =	shalt  }
.Lfunc_end0:
.L_simem_size_0:
called_computation_lowered:
.L_overlay_start_0:
0x88: {  	s2 =	sld [smem:$0x3FD9]  }
0x89: {  	s3 =	sld [smem:$0x3FFE];
	_ =	sdelay $0x1  }
0x8a: {  	s1 =	srdreg.scid  }
0x8b: {  	s0 =	sand.u32 $0x1, s1  }
0x8c: {  	s14 =	sshll.u32 s0, $0xA;
	s2 =	sadd.s32 s3, s2  }
0x8d: {  	s2 =	sadd.s32 s2, s14  }
0x8e: {  	[smem:$0x3FC3] =	sst s2  }
0x8f: {  	_ = 	snop  }
0x90: {  	s2 =	sld [smem:$0x3FD0];
	_ =	sdelay $0x2  }
0x91: {  	s4 =	simm.s32 $0xA;
	s5 =	simm.s32 $0x10;
	s15 =	sld [smem:$0x3FC8]  }
0x92: {  	[smem:s5], [sflag:s4] =	dma.local [hbm:s2], $0x1  }
0x93: {  	_ =	swait.eq [sflag:s4], $0x1  }
0x94: {  	[sflag:s4] =	ssyncset.done $0x0  }
0x95: {  	s16 =	sld [smem:$0x10];
	[sflag:s4] =	ssyncadd.s32 $0xFFFFFFFF  }
0x96: {  	s17 =	sld [smem:$0x12];
	(tm) =	ssettm $0x1  }
0x97: {  	s18 =	sld [smem:$0x3FFB];
	_ =	sdelay $0x3  }
0x98: {  	_ =	strace s18  }
0x99: {  	s5 =	sld [smem:$0x3FFC];
	_ =	sdelay $0x3  }
0x9a: {  	_ =	strace s5  }
0x9b: {  	s5 =	sld [smem:$0x3FFD];
	_ =	sdelay $0x3  }
0x9c: {  	_ =	strace s5  }
0x9d: {  	_ =	strace $0x8FFFFFFF  }
0x9e: {  	s19 =	sld [smem:$0x3FDB];
	_ =	sdelay $0x1  }
0x9f: {  	s6 =	simm.s32 $_scs_section_size  }
0xa0: {  	s7 =	simm.s32 $_size__tile_overlayer_lowered;
	s8 =	simm.s32 $_tile_overlayer_lowered  }
0xa1: {  	s22 =	simm.s32 $0x1BFF;
	s21 =	sshll.u32 s8, $0x1;
	s5 =	sadd.s32 s6, s19  }
0xa2: {  	s9 =	simm.s32 $0x0;
	s20 =	sshll.u32 s7, $0x1;
	s7 =	sadd.s32 s21, s5  }
0xa3: {  	[timem:s9], [sflag:s22] =	dma.local [hbm:s7], s20  }
0xa4: {  	_ =	swait.ge [sflag:s22], s20  }
0xa5: {  	s6 =	ssub.s32 $0x0, s20;
	[sflag:s22] =	ssyncset.done $0x0  }
0xa6: {  	[sflag:s22] =	ssyncadd.s32 s6;
	_ =	sdelay $0x1  }
0xa7: {  	s23 =	simm.s32 $0x1B8B  }
0xa8: {  	_ =	swait.ge [sflag:s23], $0x1  }
0xa9: {  	[sflag:s23] =	ssyncset.done $0x0  }
0xaa: {  	s25 =	simm.s32 $0x1B8E;
	s24 =	sld [smem:$0x3FFE];
	[sflag:s23] =	ssyncadd.s32 $0xFFFFFFFF  }
0xab: {  	s26 =	simm.s32 $execute0_lowered;
	[smem:$0x3FD2] =	sst s25  }
0xac: {  	s7 =	sshll.u32 s26, $0x1;
	_ =	strace $0x80000046;
	[dreg:$0x1] =	wrdreg $0xFFFFFFFF  }
0xad: {  	s28 =	simm.s32 $_size_execute0_lowered;
	s5 =	sadd.s32 s5, s7;
	[dreg:$0x0] =	wrdreg $0x0  }
0xae: {  	s7 =	sshll.u32 s28, $0x1;
	[dreg:$0x2] =	wrdreg s5  }
0xaf: {  	[dreg:$0x3] =	wrdreg s7  }
0xb0: {  	[dreg:$0x4] =	wrdreg $0xC0  }
0xb1: {  	_ =	task [dreg:s9], $0x5FFFF  }
0xb2: {  	[dreg:$0x1] =	wrdreg $0xFFFFFFFF  }
0xb3: {  	[dreg:$0x0] =	wrdreg $0x60  }
0xb4: {  	[dreg:$0x2] =	wrdreg s15  }
0xb5: {  	[dreg:$0x3] =	wrdreg s16  }
0xb6: {  	[dreg:$0x4] =	wrdreg s17  }
0xb7: {  	[dreg:$0x5] =	wrdreg s24  }
0xb8: {  	[dreg:$0x6] =	wrdreg $0x62800  }
0xb9: {  	[dreg:$0x7] =	wrdreg $0x62880  }
0xba: {  	[dreg:$0x8] =	wrdreg $0x62900  }
0xbb: {  	[dreg:$0x9] =	wrdreg $0x9  }
0xbc: {  	_ =	task.clear_ibuf [dreg:s9], $0xAFFFF;
	_ =	strace $0x90000046  }
0xbd: {  	s29 =	simm.s32 $0x9;
	_ =	strace $0x80000048  }
0xbe: {  	_ =	swait.ge [sflag:s29], $0x1  }
0xbf: {  	[sflag:s29] =	ssyncadd.s32 $0xFFFFFFFF  }
0xc0: {  	_ =	strace $0x90000048  }
0xc1: {  	_ =	sfence  }
0xc2: {  	s30 =	sld [smem:$0x0];
	_ =	sdelay $0x2  }
0xc3: {  	s31 =	sshll.u32 s1, $0xD;
	s1 =	sshrl.u32 s1, $0x2  }
0xc4: {  	s3 =	sand.u32 $0x4000, s31;
	s1 =	sadd.s32 s1, s30  }
0xc5: {  	s0 =	sor.u32 s3, s0;
	s1 =	sshll.u32 s1, $0x11  }
0xc6: {  	s0 =	sor.u32 s1, s0  }
0xc7: {  	s0 =	sadd.s32 $0x8F2B, s0  }
0xc8: {  	[sflag:s0] =	ssyncadd.remote.s32 $0x1  }
0xc9: {  	_ =	sfence.sel $0xFFFF  }
0xca: {  	[dreg:$0x0] =	wrdreg $0xFFFFFFFF;
	(pc) =	sbr.abs _section_cstart, $3  }
0xcb: {  	[dreg:$0x1] =	wrdreg $0xFFFFFFFF  }
0xcc: {  	_ =	task.clear_ibuf [dreg:s9], $0x2FFFF;
	_ =	strace $0x9FFFFFFF  }
0xcd: {  	(tm) =	ssettm $0x7FFFFFFF  }
tec
execute0_lowered:
.L_overlay_start_1:
0x0: {  	(tag) =	ssettag $0x1  }
0x1: {  	s1 =	rddreg [dreg:$0x1]  }
0x2: {  	s3 =	rddreg [dreg:$0x2]  }
0x3: {  	s0 =	rddreg [dreg:$0x3]  }
0x4: {  	s4 =	rddreg [dreg:$0x4]  }
0x5: {  	s5 =	rddreg [dreg:$0x5]  }
0x6: {  	s15 =	rddreg [dreg:$0x6];
	s7 =	simm.s32 $0x0;
	s21 =	stileid.u32  }
0x7: {  	s2 =	srdreg.scid;
	s16 =	simm.s32 $0x4100;
	s17 =	simm.s32 $0x2  }
0x8: {  	s18 =	simm.s32 $0x1;
	s19 =	simm.s32 $0x2000;
	s20 =	simm.s32 $0x3  }
0x9: {  	s28 =	simm.s32 $0x5280;
	s29 =	simm.s32 $0x5A80;
	s30 =	simm.s32 $0x0  }
0xa: {  	[smem:$0x7FF] =	sst s7;
	s6 =	smul.u32 $0xA800, s21;
	s2 =	sand.u32 $0x1, s2  }
0xb: {  	s9 =	sadd.s32 $0x1400, s0;
	s10 =	smul.u32 $0xA80, s21;
	s25 =	sshll.u32 s21, $0x1  }
0xc: {  	s12 =	sadd.s32 $0x10, s5;
	s26 =	sadd.s32 $0x20, s5;
	p0 =	sne.s32 s21, $0x0  }
0xd: {  	p2 =	sne.s32 s21, $0xA;
	p4 =	sgt.u32 s21, $0x9;
	_ =	strace $0x80000047  }
0xe: {  	s8 =	ssub.s32 $0x2, s2;
	s11 =	smul.u32 $0x540, s2;
	[dreg:$0x8] =	wrdreg s12  }
0xf: {  	s14 =	smul.u32 $0x5400, s2;
	[dreg:$0x9] =	wrdreg s26;
	s12 =	sadd.s32 $0x100, s1  }
0x10: {  	v1 =	vlaneseq.u32;
	p1 =	sne.s32 s2, $0x0;
	s26 =	simm.s32 $0x4A80;
	s24 =	sshrl.u32 s8, $0x1  }
0x11: {  	v2 =	vimm.s32 $0x0;
	vm1 =	vmmov $0xffff;
	vm2 =	vcmask $0x2328;
	s0 =	sadd.s32 s6, s0;
	s6 =	ssub.s32 s8, s24;
	s8 =	sor.u32 s2, s25  }
0x12: {  	v3 =	vimm.s32 $0x2000;
	v0 =	vmov s21;
	v4 =	vor.u32 $0x10, v1;
	s10 =	sadd.s32 s11, s10;
	s0 =	sadd.s32 s14, s0;
	s24 =	simm.s32 $0x4200  }
0x13: {  	v5 =	vor.u32 $0x20, v1;
	v7 =	vshrl.u32 v1, $0x3;
	v6 =	vand.u32 $0x7, v1;
	s25 =	simm.s32 $0x4280;
	s13 =	smax.u32 s6, $0x1;
	s31 =	sshrl.u32 s10, $0x2  }
0x14: {  	v8 =	vor.u32 $0x8, v1;
	vm0 =	veq.s32 v0, v1;
	v7 =	vmul.u32 $0x8, v7;
	s14 =	sadd.s32 $0x1600, s0;
	p3 =	sne.s32 s8, $0x0;
	s15 =	sadd.s32 s31, s15  }
.LBB2_1:
.Ltmp0:
0x15: {  	(pc) =	sbr.rel @!p0 .LBB2_2-.Ltmp0, $1  }
0x16: {  	_ =	sdelay $0x3  }
.Ltmp1:
0x17: {  	(pc) =	sbr.rel @!p4 .LBB2_4-.Ltmp1, $1  }
0x18: {  	_ =	sdelay $0x3  }
.Ltmp2:
0x19: {  	(pc) =	sbr.rel .LBB2_8-.Ltmp2, $3  }
0x1a: {  	_ =	sdelay $0x1  }
0x1b: {  	[bflag:$0x0] =	sbarrier.arrive $0xFFFF  }
0x1c: {  	p5 =	por $0x0, $0x0  }
.LBB2_2:
0x1d: {  	[tilespmem:$0x4100] =	vst v2  }
0x1e: {  	[spmem:s4] =	stream.linear.scatter [tilespmem:s16], [sflag:$0x2], $0x80, $0x38;
	[tilespmem:$0x6530] =	vst v63  }
0x1f: {  	_ =	swait.ge [sflag:s17], $0x80  }
0x20: {  	[sflag:s17] =	ssyncset.done $0x0  }
0x21: {  	[sflag:s17] =	ssyncadd.s32 $0xFFFFFF80  }
0x22: {  	[spmem:s5] =	stream.linear.scatter [tilespmem:s16], [sflag:$0x2], $0x10, $0x38;
	[tilespmem:$0x6530] =	vst v63  }
0x23: {  	_ =	swait.ge [sflag:s17], $0x10  }
0x24: {  	[sflag:s17] =	ssyncset.done $0x0  }
0x25: {  	s0 =	rddreg [dreg:$0x8];
	[sflag:s17] =	ssyncadd.s32 $0xFFFFFFF0  }
0x26: {  	[spmem:s0] =	stream.linear.scatter [tilespmem:s16], [sflag:$0x2], $0x10, $0x38;
	[tilespmem:$0x6530] =	vst v63  }
0x27: {  	_ =	swait.ge [sflag:s17], $0x10  }
0x28: {  	[sflag:s17] =	ssyncset.done $0x0  }
0x29: {  	s31 =	rddreg [dreg:$0x9];
	[sflag:s17] =	ssyncadd.s32 $0xFFFFFFF0  }
0x2a: {  	[spmem:s31] =	stream.linear.scatter [tilespmem:s16], [sflag:$0x2], $0x10, $0x38;
	[tilespmem:$0x6530] =	vst v63  }
0x2b: {  	_ =	swait.ge [sflag:s17], $0x10  }
0x2c: {  	[sflag:s17] =	ssyncset.done $0x0  }
0x2d: {  	[sflag:s17] =	ssyncadd.s32 $0xFFFFFFF0  }
.LBB2_4:
0x2e: {  	s0 =	simm.s32 $0x0;
	s2 =	rddreg [dreg:$0x0]  }
0x2f: {  	[tilespmem:s0], [sflag:$0x2] =	stream.linear.gather [hbm4b:s2+s0], $0x2000, $0x38;
	[tilespmem:$0x6530] =	vst v63  }
0x30: {  	_ =	swait.ge [sflag:s17], $0x2000  }
0x31: {  	[sflag:s17] =	ssyncset.done $0x0  }
0x32: {  	s11 =	simm.s32 $0x0;
	[sflag:s17] =	ssyncadd.s32 $0xFFFFE000  }
0x33: {  	v9 =	vld [tilespmem:s11+$0x0]  }
0x34: {  	s22 =	simm.s32 $0x10  }
0x35: {  	s23 =	simm.s32 $0x20;
	v10 =	vld [tilespmem:s22+$0x0]  }
0x36: {  	v11 =	vld [tilespmem:s23+$0x0];
	_ =	sdelay $0x1  }
0x37: {  	vm3 =	veq.s32 v9, v0  }
0x38: {  	v9 =	vsel vm3, $0x1, v2  }
0x39: {  	vm3 =	veq.s32 v10, v0;
	(xrf0) =	vadd.scan.msk.s32 $0xffff, v9  }
0x3a: {  	v9 =	vsel vm3, $0x1, v2;
	vm3 =	veq.s32 v11, v0  }
0x3b: {  	(xrf0) =	vadd.scan.msk.s32 $0xffff, v9;
	v9 =	vsel vm3, $0x1, v2  }
0x3c: {  	s31 =	simm.s32 $0x30;
	(xrf0) =	vadd.scan.msk.s32 $0xffff, v9  }
0x3d: {  	v10 =	vld [tilespmem:s31+$0x0];
	_ =	sdelay $0x1  }
0x3e: {  	v9, _, _ =	vpop (xrf0)  }
0x3f: {  	(v2sf) =	vpush v9, $0xF  }
0x40: {  	v9, _, _ =	vpop (xrf0)  }
0x41: {  	vm3 =	veq.s32 v10, v0;
	(v2sf) =	vpush v9, $0xF;
	v10, _, _ =	vpop (xrf0)  }
0x42: {  	(v2sf) =	vpush v10, $0xF;
	_ =	sdelay $0x5  }
0x43: {  	s6 =	simm.s32 $0x40;
	v9 =	vsel vm3, $0x1, v2  }
0x44: {  	(xrf0) =	vadd.scan.msk.s32 $0xffff, v9;
	v9 =	vld [tilespmem:s6+$0x0];
	_ =	sdelay $0x1  }
0x45: {  	s2 =	simm.s32 $0x140  }
.LBB2_5:
0x46: {  	p5 =	sne.s32 s2, $0x7FC0  }
.Ltmp3:
0x47: {  	s6 =	sshra.s32 s2, $0x2;
	(pc) =	sbr.rel @p5 .LBB2_5-.Ltmp3, $4  }
0x48: {  	s2 =	sadd.s32 $0x40, s2;
	s8 =	spop (v2sf);
	vm3 =	veq.s32 v9, v0  }
0x49: {  	s0 =	sadd.s32 s0, s8;
	v9 =	vld [tilespmem:s6+$0x0];
	v11 =	vsel vm3, $0x1, v2  }
0x4a: {  	(xrf0) =	vadd.scan.msk.s32 $0xffff, v11;
	v10, _, _ =	vpop (xrf0)  }
0x4b: {  	(v2sf) =	vpush v10, $0xF  }
0x4c: {  	_ =	sdelay $0x1  }
0x4d: {  	vm3 =	veq.s32 v9, v0  }
0x4e: {  	v9 =	vsel vm3, $0x1, v2  }
0x4f: {  	(xrf0) =	vadd.scan.msk.s32 $0xffff, v9;
	_ =	sdelay $0x4  }
0x50: {  	v9, _, _ =	vpop (xrf0)  }
0x51: {  	(v2sf) =	vpush v9, $0xF;
	v9, _, _ =	vpop (xrf0)  }
0x52: {  	(v2sf) =	vpush v9, $0xF;
	_ =	sdelay $0xa  }
0x53: {  	s2 =	spop (v2sf)  }
0x54: {  	s0 =	sadd.s32 s0, s2;
	s11 =	spop (v2sf)  }
0x55: {  	s0 =	sadd.s32 s0, s11;
	s22 =	spop (v2sf)  }
0x56: {  	s0 =	sadd.s32 s0, s22;
	s23 =	spop (v2sf)  }
0x57: {  	s0 =	sadd.s32 s0, s23;
	s31 =	spop (v2sf)  }
0x58: {  	s0 =	sadd.s32 s0, s31  }
0x59: {  	v9 =	vmov s0  }
0x5a: {  	v9 =	vnsel vm0, $0x0, v9  }
0x5b: {  	[tilespmem:$0x4100] =	vst v9  }
0x5c: {  	[bflag:$0x0] =	sbarrier.arrive $0xFFFF  }
0x5d: {  	[spmem:s4] =	stream.indirect_vreg.scatter.add.s32 [tilespmem:s16], [sflag:$0x2], $0x1, v1, vm1, $0xb8;
	[tilespmem:$0x6530] =	vst v63  }
0x5e: {  	_ =	swait.ge [sflag:s17], $0x10  }
0x5f: {  	[sflag:s17] =	ssyncset.done $0x0  }
0x60: {  	p5 =	por $0x1, $0x1;
	[sflag:s17] =	ssyncadd.s32 $0xFFFFFFF0  }
.LBB2_8:
0x61: {  	[bflag:$0x0] =	sbarrier.arrive $0xFFFF  }
0x62: {  	[tilespmem:s16], [sflag:$0x2] =	stream.linear.gather [spmem:s4], $0x80, $0x38;
	[tilespmem:$0x6530] =	vst v63  }
0x63: {  	_ =	swait.ge [sflag:s17], $0x80  }
0x64: {  	[sflag:s17] =	ssyncset.done $0x0  }
0x65: {  	[sflag:s17] =	ssyncadd.s32 $0xFFFFFF80  }
0x66: {  	v9 =	vld [tilespmem:$0x4100];
	_ =	sdelay $0x4  }
0x67: {  	v9 =	vadd.s32 $0xFF, v9  }
0x68: {  	v10 =	vshra.s32 v9, $0x1F;
	v11 =	vand.u32 $0xFF, v9  }
0x69: {  	vm3 =	vlt.s32 v9, $0x1;
	v10 =	vshrl.u32 v10, $0x18;
	vm4 =	vne.s32 v11, $0x0  }
0x6a: {  	v9 =	vadd.s32 v10, v9;
	vm3 =	vmand vm3, vm4  }
0x6b: {  	v9 =	vshrl.u32 v9, $0x8;
	v10 =	vsel vm3, $0xFFFFFFFF, v2  }
0x6c: {  	v9 =	vadd.s32 v10, v9  }
0x6d: {  	v9 =	vshll.u32 v9, $0x8  }
0x6e: {  	(xrf0) =	vadd.scan.msk.s32 $0xffff, v9;
	_ =	sdelay $0x5  }
0x6f: {  	v10, _, _ =	vpop (xrf0)  }
0x70: {  	v11 =	vsub.s32 v10, v9;
	v10 =	vsel vm2, $0x0, v10  }
0x71: {  	(xrf0) =	vadd.scan.msk.s32 $0xffff, v10;
	v10 =	vnsel vm0, $0x0, v11  }
0x72: {  	v9 =	vnsel vm0, $0x0, v9;
	(xrf0) =	vadd.scan.msk.s32 $0xffff, v10  }
0x73: {  	(xrf0) =	vadd.scan.msk.s32 $0xffff, v9;
	_ =	sdelay $0x3  }
0x74: {  	v9, _, _ =	vpop (xrf0)  }
0x75: {  	v10, _, _ =	vpop (xrf0);
	(v2sf) =	vpush v9, $0xF  }
0x76: {  	(v2sf) =	vpush v10, $0xF;
	v9, _, _ =	vpop (xrf0)  }
0x77: {  	(v2sf) =	vpush v9, $0xF;
	_ =	sdelay $0xa  }
.Ltmp4:
0x78: {  	_ = 	snop;
	(pc) =	sbr.rel @!p5 .LBB2_18-.Ltmp4, $4  }
0x79: {  	_ = 	snop  }
0x7a: {  	s31 =	spop (v2sf)  }
0x7b: {  	s2 =	spop (v2sf)  }
0x7c: {  	s23 =	spop (v2sf)  }
0x7d: {  	s6 =	sand.u32 $0xFF, s23  }
0x7e: {  	s0 =	sshra.s32 s23, $0x1F;
	p5 =	slt.s32 s23, $0x1;
	p6 =	sne.s32 s6, $0x0  }
0x7f: {  	s22 =	sshrl.u32 s0, $0x18;
	p6 =	por !p5, !p6  }
0x80: {  	s8 =	simm.s32 $0x1;
	s6 =	sadd.s32 s22, s23;
	p6 =	por !p6, !p6  }
0x81: {  	s10 =	simm.s32 $0x0;
	s6 =	sshra.s32 s6, $0x8;
	s8 =	simm.s32 @!p6 $0x0  }
0x82: {  	s22 =	ssub.s32 s6, s8;
	s6 =	simm.s32 $0x40;
	s8 =	simm.s32 $0x0  }
.LBB2_10:
0x83: {  	p6 =	sne.s32 s6, $0x83C0;
	[tilespmem:s8+$0x2000] =	vst v3;
	s8 =	smov.u32 s6;
	s6 =	sadd.s32 $0x40, s6  }
.Ltmp5:
0x84: {  	(pc) =	sbr.rel @p6 .LBB2_10-.Ltmp5, $2  }
0x85: {  	_ =	sdelay $0x2  }
0x86: {  	s8 =	sshra.s32 s8, $0x2  }
0x87: {  	[tilespmem:s8+$0x2000] =	vst v3  }
0x88: {  	v9 =	vld [tilespmem:s10+$0x0];
	_ =	sdelay $0x4  }
0x89: {  	vm3 =	veq.s32 v9, v0  }
0x8a: {  	v9 =	vsel vm3, $0x1, v2  }
0x8b: {  	(xrf0) =	vadd.scan.msk.s32 $0xffff, v9;
	_ =	sdelay $0x3  }
0x8c: {  	v9 =	vmov s10  }
0x8d: {  	v9 =	vadd.s32 $0xFFFFFFFF, v9  }
0x8e: {  	v9 =	vbroadcast v9, $0x0;
	v10, _, _ =	vpop (xrf0)  }
0x8f: {  	(v2sf) =	vpush v10, $0xF  }
0x90: {  	v9 =	vadd.s32 v10, v9;
	_ =	sdelay $0x3  }
0x91: {  	v11 =	vor.u32 s10, v1  }
0x92: {  	s11 =	simm.s32 $0x10;
	[tilespmem:v9+s19+$0x0] =	vst.idx.msk vm3, v11  }
0x93: {  	s6 =	simm.s32 $0x20;
	s8 =	simm.s32 $0x10;
	v9 =	vld [tilespmem:s11+$0x0]  }
.LBB2_12:
0x94: {  	p6 =	sne.s32 s6, $0x1FF0;
	_ =	sdelay $0x3  }
0x95: {  	vm3 =	veq.s32 v9, v0  }
0x96: {  	v9 =	vsel vm3, $0x1, v2  }
0x97: {  	(xrf0) =	vadd.scan.msk.s32 $0xffff, v9  }
0x98: {  	s21 =	spop (v2sf)  }
0x99: {  	s10 =	sadd.s32 s10, s21  }
0x9a: {  	v9 =	vmov s10  }
0x9b: {  	v9 =	vadd.s32 $0xFFFFFFFF, v9  }
0x9c: {  	v9 =	vbroadcast v9, $0x0  }
0x9d: {  	v10, _, _ =	vpop (xrf0)  }
0x9e: {  	v9 =	vadd.s32 v10, v9;
	(v2sf) =	vpush v10, $0xF;
	_ =	sdelay $0x2  }
.Ltmp6:
0x9f: {  	(pc) =	sbr.rel @p6 .LBB2_12-.Ltmp6, $4  }
0xa0: {  	v10 =	vor.u32 s11, v1;
	s11 =	smov.u32 s6  }
0xa1: {  	[tilespmem:v9+s19+$0x0] =	vst.idx.msk vm3, v10  }
0xa2: {  	s8 =	sadd.s32 $0x10, s8  }
0xa3: {  	s6 =	sadd.s32 $0x10, s6;
	v9 =	vld [tilespmem:s8+$0x0]  }
0xa4: {  	_ =	sdelay $0x3  }
0xa5: {  	vm3 =	veq.s32 v9, v0  }
0xa6: {  	v9 =	vsel vm3, $0x1, v2  }
0xa7: {  	(xrf0) =	vadd.scan.msk.s32 $0xffff, v9;
	_ =	sdelay $0x5  }
0xa8: {  	v9, _, _ =	vpop (xrf0)  }
0xa9: {  	(v2sf) =	vpush v9, $0xF;
	_ =	sdelay $0x3  }
0xaa: {  	s21 =	sand.u32 $0xF, s23;
	s6 =	spop (v2sf)  }
0xab: {  	p6 =	sne.s32 s21, $0x0;
	s6 =	sadd.s32 s10, s6  }
0xac: {  	s0 =	sshrl.u32 s0, $0x1C;
	p5 =	por !p5, !p6;
	v10 =	vmov s6  }
0xad: {  	s0 =	sadd.s32 s0, s23;
	p5 =	por !p5, !p5;
	s6 =	simm.s32 $0x1;
	v10 =	vadd.s32 $0xFFFFFFFF, v10  }
0xae: {  	s0 =	sshra.s32 s0, $0x4;
	s6 =	simm.s32 @!p5 $0x0;
	v10 =	vbroadcast v10, $0x0  }
0xaf: {  	s0 =	ssub.s32 s0, s6  }
0xb0: {  	p5 =	slt.s32 s0, $0x1;
	v9 =	vadd.s32 v9, v10  }
.Ltmp7:
0xb1: {  	_ = 	snop;
	(pc) =	sbr.rel @p5 .LBB2_17-.Ltmp7, $3  }
0xb2: {  	_ =	sdelay $0x1  }
0xb3: {  	v10 =	vor.u32 s11, v1  }
0xb4: {  	[tilespmem:v9+s19+$0x0] =	vst.idx.msk vm3, v10;
	s23 =	spop (v2sf)  }
0xb5: {  	s6 =	sshll.u32 s2, $0x2  }
0xb6: {  	s8 =	rddreg [dreg:$0x6];
	s6 =	sshra.s32 s6, $0x2  }
0xb7: {  	s11 =	simm.s32 $0x2000;
	s10 =	sadd.s32 s6, s8;
	s6 =	sadd.s32 $0xFFFFFFFF, s0  }
0xb8: {  	[spmem:s10] =	stream.linear.scatter [tilespmem:s11], [sflag:$0x3], $0x10, $0x38;
	[tilespmem:$0x6530] =	vst v63  }
0xb9: {  	s0 =	simm.s32 @!p1 $0x2;
	p5 =	sne.s32 s6, $0x0;
	_ =	swait.ge [sflag:s20], $0x10  }
.Ltmp8:
0xba: {  	s8 =	sshrl.u32 @!p1 s2, $0x3;
	[sflag:s20] =	ssyncset.done $0x0;
	(pc) =	sbr.rel @!p5 .LBB2_16-.Ltmp8, $4  }
0xbb: {  	s21 =	sadd.s32 @!p1 s3, s8;
	s8 =	simm.s32 @!p1 $0x0;
	[sflag:s20] =	ssyncadd.s32 $0xFFFFFFF0  }
0xbc: {  	[hbm4b:s21+s8] =	stream.linear.scatter @!p1 [tilespmem:s11], [sflag:$0x2], $0x10, $0x38;
	[tilespmem:$0x6530] =	vst v63  }
0xbd: {  	s23 =	smov.u32 s2;
	_ =	swait.ge @!p1 [sflag:s0], $0x10  }
0xbe: {  	s10 =	sadd.s32 $0x10, s10;
	s11 =	simm.s32 $0x2010;
	[sflag:s0] =	ssyncset.done @!p1 $0x0  }
.LBB2_15:
0xbf: {  	s6 =	sadd.s32 $0xFFFFFFFF, s6;
	[sflag:s0] =	ssyncadd.s32 @!p1 $0xFFFFFFF0;
	s23 =	sadd.s32 $0x10, s23  }
0xc0: {  	[spmem:s10] =	stream.linear.scatter [tilespmem:s11], [sflag:$0x3], $0x10, $0x38;
	[tilespmem:$0x6530] =	vst v63  }
0xc1: {  	p5 =	sne.s32 s6, $0x0;
	_ =	swait.ge [sflag:s20], $0x10  }
.Ltmp9:
0xc2: {  	s21 =	sshrl.u32 @!p1 s23, $0x3;
	[sflag:s20] =	ssyncset.done $0x0;
	(pc) =	sbr.rel @p5 .LBB2_15-.Ltmp9, $4  }
0xc3: {  	s21 =	sadd.s32 @!p1 s3, s21;
	[sflag:s20] =	ssyncadd.s32 $0xFFFFFFF0  }
0xc4: {  	[hbm4b:s21+s8] =	stream.linear.scatter @!p1 [tilespmem:s11], [sflag:$0x2], $0x10, $0x38;
	[tilespmem:$0x6530] =	vst v63  }
0xc5: {  	_ =	swait.ge @!p1 [sflag:s0], $0x10  }
0xc6: {  	s10 =	sadd.s32 $0x10, s10;
	s11 =	sadd.s32 $0x10, s11;
	[sflag:s0] =	ssyncset.done @!p1 $0x0  }
.LBB2_16:
0xc7: {  	[sflag:s0] =	ssyncadd.s32 @!p1 $0xFFFFFFF0  }
.LBB2_17:
0xc8: {  	s0 =	sand.u32 $0xFF, s2  }
0xc9: {  	s11 =	sshra.s32 s2, $0x1F;
	p6 =	slt.s32 s2, $0x1;
	p5 =	sne.s32 s0, $0x0  }
0xca: {  	s0 =	sshrl.u32 s11, $0x18;
	p5 =	por !p6, !p5  }
0xcb: {  	s0 =	sadd.s32 s0, s2;
	s2 =	simm.s32 $0x1;
	p5 =	por !p5, !p5  }
0xcc: {  	v9 =	vmov s22;
	s0 =	sshra.s32 s0, $0x8;
	s2 =	simm.s32 @!p5 $0x0  }
0xcd: {  	vm3 =	vgt.s32 v9, v1;
	s0 =	ssub.s32 s0, s2  }
0xce: {  	vm4 =	vgt.s32 v9, v4;
	v10 =	vadd.s32 s0, v1  }
0xcf: {  	v9 =	vadd.s32 s0, v4  }
0xd0: {  	[tilespmem:$0x4180] =	vst v2  }
0xd1: {  	[tilespmem:$0x4190] =	vst v2  }
0xd2: {  	[tilespmem:$0x41A0] =	vst v2;
	s21 =	simm.s32 $0x4180  }
0xd3: {  	[tilespmem:v10+s21+$0x0] =	vst.idx.msk vm3, v0  }
0xd4: {  	[tilespmem:v9+s21+$0x0] =	vst.idx.msk vm4, v0  }
0xd5: {  	[spmem:s5] =	stream.indirect_vreg.scatter.add.s32 [tilespmem:s21], [sflag:$0x2], $0x1, v1, vm1, $0xb8;
	[tilespmem:$0x6530] =	vst v63  }
0xd6: {  	_ =	swait.ge [sflag:s17], $0x10  }
0xd7: {  	[sflag:s17] =	ssyncset.done $0x0  }
0xd8: {  	s22 =	simm.s32 $0x4190;
	[sflag:s17] =	ssyncadd.s32 $0xFFFFFFF0  }
0xd9: {  	[spmem:s5] =	stream.indirect_vreg.scatter.add.s32 [tilespmem:s22], [sflag:$0x2], $0x1, v4, vm1, $0xb8;
	[tilespmem:$0x6530] =	vst v63  }
0xda: {  	_ =	swait.ge [sflag:s17], $0x10  }
0xdb: {  	[sflag:s17] =	ssyncset.done $0x0  }
0xdc: {  	s23 =	simm.s32 $0x41A0;
	[sflag:s17] =	ssyncadd.s32 $0xFFFFFFF0  }
0xdd: {  	[spmem:s5] =	stream.indirect_vreg.scatter.add.s32 [tilespmem:s23], [sflag:$0x2], $0x1, v5, vm1, $0xb8;
	[tilespmem:$0x6530] =	vst v63  }
0xde: {  	_ =	swait.ge [sflag:s17], $0x10  }
0xdf: {  	[sflag:s17] =	ssyncset.done $0x0  }
0xe0: {  	s21 =	stileid.u32;
	[sflag:s17] =	ssyncadd.s32 $0xFFFFFFF0  }
.LBB2_18:
0xe1: {  	p5 =	sne.s32 @!p2 s31, $0x2A00  }
0xe2: {  	s0 =	ssub.s32 @!p2 $0x2A00, s31;
	s2 =	simm.s32 @!p2 $0x1;
	p5 =	por !p5, p2  }
0xe3: {  	s6 =	sshra.s32 @!p2 s0, $0x1F;
	s2 =	simm.s32 @p5 $0x0  }
0xe4: {  	s8 =	sand.u32 @!p2 $0xF, s0;
	s2 =	sor.u32 @!p2 s2, s6  }
0xe5: {  	p6 =	sne.s32 @!p2 s8, $0x0;
	p5 =	sne.s32 @!p2 s2, $0x1  }
0xe6: {  	p5 =	por @!p2 !p6, !p5  }
0xe7: {  	s2 =	sshrl.u32 @!p2 s6, $0x1C;
	p5 =	por @!p2 !p5, !p5  }
0xe8: {  	s0 =	sadd.s32 @!p2 s2, s0;
	s2 =	simm.s32 @!p2 $0x1;
	p5 =	por !p5, p2  }
0xe9: {  	s0 =	sshra.s32 @!p2 s0, $0x4;
	s2 =	simm.s32 @p5 $0x0  }
0xea: {  	s0 =	ssub.s32 @!p2 s0, s2  }
0xeb: {  	p5 =	slt.s32 @!p2 s0, $0x1  }
0xec: {  	p5 =	por p2, p5  }
.Ltmp10:
0xed: {  	_ = 	snop;
	(pc) =	sbr.rel @p5 .LBB2_22-.Ltmp10, $3  }
0xee: {  	_ =	sdelay $0x1  }
0xef: {  	v9 =	vimm.s32 @!p2 $0x2000  }
0xf0: {  	[tilespmem:$0x4100] =	vst @!p2 v9  }
0xf1: {  	s2 =	sshll.u32 s31, $0x2  }
0xf2: {  	s6 =	rddreg [dreg:$0x6];
	s2 =	sshra.s32 s2, $0x2  }
0xf3: {  	s8 =	sshrl.u32 @!p1 s31, $0x3;
	s10 =	sadd.s32 s2, s6;
	s2 =	sadd.s32 $0xFFFFFFFF, s0  }
0xf4: {  	[spmem:s10] =	stream.linear.scatter [tilespmem:s16], [sflag:$0x3], $0x10, $0x38;
	[tilespmem:$0x6530] =	vst v63  }
0xf5: {  	s11 =	sadd.s32 @!p1 s3, s8;
	p5 =	sne.s32 s2, $0x0;
	_ =	swait.ge [sflag:s20], $0x10  }
.Ltmp11:
0xf6: {  	s8 =	simm.s32 @!p1 $0x0;
	[sflag:s20] =	ssyncset.done $0x0;
	(pc) =	sbr.rel @!p5 .LBB2_21-.Ltmp11, $4  }
0xf7: {  	s6 =	simm.s32 @!p1 $0x4100;
	s0 =	simm.s32 @!p1 $0x2;
	[sflag:s20] =	ssyncadd.s32 $0xFFFFFFF0  }
0xf8: {  	[hbm4b:s11+s8] =	stream.linear.scatter @!p1 [tilespmem:s6], [sflag:$0x2], $0x10, $0x38;
	[tilespmem:$0x6530] =	vst v63  }
0xf9: {  	_ =	swait.ge @!p1 [sflag:s0], $0x10  }
0xfa: {  	s10 =	sadd.s32 $0x10, s10;
	[sflag:s0] =	ssyncset.done @!p1 $0x0  }
.LBB2_20:
0xfb: {  	s2 =	sadd.s32 $0xFFFFFFFF, s2;
	[sflag:s0] =	ssyncadd.s32 @!p1 $0xFFFFFFF0;
	s31 =	sadd.s32 $0x10, s31  }
0xfc: {  	[spmem:s10] =	stream.linear.scatter [tilespmem:s16], [sflag:$0x3], $0x10, $0x38;
	[tilespmem:$0x6530] =	vst v63  }
0xfd: {  	p5 =	sne.s32 s2, $0x0;
	_ =	swait.ge [sflag:s20], $0x10  }
.Ltmp12:
0xfe: {  	s11 =	sshrl.u32 @!p1 s31, $0x3;
	[sflag:s20] =	ssyncset.done $0x0;
	(pc) =	sbr.rel @p5 .LBB2_20-.Ltmp12, $4  }
0xff: {  	s11 =	sadd.s32 @!p1 s3, s11;
	[sflag:s20] =	ssyncadd.s32 $0xFFFFFFF0  }
0x100: {  	[hbm4b:s11+s8] =	stream.linear.scatter @!p1 [tilespmem:s6], [sflag:$0x2], $0x10, $0x38;
	[tilespmem:$0x6530] =	vst v63  }
0x101: {  	_ =	swait.ge @!p1 [sflag:s0], $0x10  }
0x102: {  	s10 =	sadd.s32 $0x10, s10;
	[sflag:s0] =	ssyncset.done @!p1 $0x0  }
.LBB2_21:
0x103: {  	[sflag:s0] =	ssyncadd.s32 @!p1 $0xFFFFFFF0  }
.LBB2_22:
0x104: {  	s0 =	sshll.u32 @!p3 s21, $0x6  }
0x105: {  	[bflag:$0x0] =	sbarrier.arrive $0xFFFF;
	s2 =	sshrl.u32 @!p3 s5, $0x3;
	s0 =	sor.u32 @!p3 $0x1C02, s0  }
0x106: {  	[hbm:s9], [sflag:s0] =	dma.local @!p3 [spmem:s2], $0x10  }
0x107: {  	s0 =	simm.s32 @!p3 $0x2  }
0x108: {  	_ =	swait.ge @!p3 [sflag:s0], $0x10  }
0x109: {  	[sflag:s0] =	ssyncset.done @!p3 $0x0  }
0x10a: {  	s31 =	sadd.s32 $0x0, s15;
	[sflag:s0] =	ssyncadd.s32 @!p3 $0xFFFFFFF0  }
0x10b: {  	[tilespmem:s24], [sflag:$0x2] =	stream.linear.gather [spmem:s31], $0x10, $0x38;
	[tilespmem:$0x6530] =	vst v63  }
0x10c: {  	_ =	swait.ge [sflag:s17], $0x10  }
0x10d: {  	[sflag:s17] =	ssyncset.done $0x0  }
0x10e: {  	[sflag:s17] =	ssyncadd.s32 $0xFFFFFFF0  }
0x10f: {  	v9 =	vld [tilespmem:$0x4200];
	_ =	sdelay $0x4  }
0x110: {  	vm3 =	vlt.s32 v9, $0x1FFF  }
0x111: {  	v9 =	vnsel vm3, $0x1FFF, v9  }
0x112: {  	v10 =	vshll.u32 v9, $0x2  }
0x113: {  	v11 =	vand.u32 $0x7, v9;
	v10 =	vand.u32 $0xFFFFFFE0, v10  }
0x114: {  	v10 =	vor.u32 v11, v10  }
0x115: {  	v11 =	vperm.xlane v10, v6;
	_ =	sdelay $0x1  }
0x116: {  	v11 =	vadd.s32 v7, v11;
	_ =	sdelay $0x1  }
0x117: {  	v10 =	vperm.xlane v10, v8;
	_ =	sdelay $0x1  }
0x118: {  	[tilespmem:$0x4200] =	vst v9;
	v9 =	vadd.s32 v7, v10  }
0x119: {  	[tilespmem:s25], [sflag:$0x1] =	stream.indirect_vreg.gather [hbm4b:s1+s7], $0x80, v11, vm1, $0xb8;
	[tilespmem:$0x6530] =	vst v63  }
0x11a: {  	_ = 	snop  }
0x11b: {  	[tilespmem:s26], [sflag:$0x1] =	stream.indirect_vreg.gather [hbm4b:s12+s7], $0x80, v11, vm1, $0xb8;
	[tilespmem:$0x6530] =	vst v63  }
0x11c: {  	_ = 	snop  }
0x11d: {  	[tilespmem:s28], [sflag:$0x1] =	stream.indirect_vreg.gather [hbm4b:s1+s7], $0x80, v9, vm1, $0xb8;
	[tilespmem:$0x6530] =	vst v63  }
0x11e: {  	_ = 	snop  }
0x11f: {  	[tilespmem:s29], [sflag:$0x1] =	stream.indirect_vreg.gather [hbm4b:s12+s7], $0x80, v9, vm1, $0xb8;
	[tilespmem:$0x6530] =	vst v63  }
0x120: {  	_ =	swait.ge [sflag:s18], $0x2000  }
0x121: {  	[sflag:s18] =	ssyncset.done $0x0  }
0x122: {  	[sflag:s18] =	ssyncadd.s32 $0xFFFFE000  }
0x123: {  	[hbm4b:s14+s7] =	stream.linear.scatter [tilespmem:s25], [sflag:$0x2], $0x2000, $0x38;
	[tilespmem:$0x6530] =	vst v63  }
0x124: {  	s6 =	simm.s32 $0x80;
	_ =	swait.ge [sflag:s17], $0x2000  }
0x125: {  	s8 =	simm.s32 $0x10;
	s0 =	sadd.s32 $0x400, s14;
	[sflag:s17] =	ssyncset.done $0x0  }
.LBB2_23:
0x126: {  	s8 =	sadd.s32 s8, s15  }
0x127: {  	[sflag:s17] =	ssyncadd.s32 $0xFFFFE000;
	s10 =	smov.u32 s6;
	s2 =	sadd.s32 $0x40, s6  }
0x128: {  	[tilespmem:s24], [sflag:$0x2] =	stream.linear.gather [spmem:s8], $0x10, $0x38;
	[tilespmem:$0x6530] =	vst v63  }
0x129: {  	p5 =	sne.s32 s6, $0x500;
	_ =	swait.ge [sflag:s17], $0x10  }
0x12a: {  	[sflag:s17] =	ssyncset.done $0x0  }
0x12b: {  	[sflag:s17] =	ssyncadd.s32 $0xFFFFFFF0  }
0x12c: {  	v9 =	vld [tilespmem:$0x4200];
	_ =	sdelay $0x4  }
0x12d: {  	vm3 =	vlt.s32 v9, $0x1FFF  }
0x12e: {  	v9 =	vnsel vm3, $0x1FFF, v9  }
0x12f: {  	[tilespmem:$0x4200] =	vst v9;
	v10 =	vshll.u32 v9, $0x2  }
0x130: {  	v9 =	vand.u32 $0x7, v9;
	v10 =	vand.u32 $0xFFFFFFE0, v10  }
0x131: {  	v9 =	vor.u32 v9, v10  }
0x132: {  	v10 =	vperm.xlane v9, v6;
	v9 =	vperm.xlane v9, v8;
	_ =	sdelay $0x1  }
0x133: {  	v10 =	vadd.s32 v7, v10;
	_ =	sdelay $0x3  }
0x134: {  	v9 =	vadd.s32 v7, v9  }
0x135: {  	[tilespmem:s25], [sflag:$0x1] =	stream.indirect_vreg.gather [hbm4b:s1+s7], $0x80, v10, vm1, $0xb8;
	[tilespmem:$0x6530] =	vst v63  }
0x136: {  	_ = 	snop  }
0x137: {  	[tilespmem:s26], [sflag:$0x1] =	stream.indirect_vreg.gather [hbm4b:s12+s7], $0x80, v10, vm1, $0xb8;
	[tilespmem:$0x6530] =	vst v63  }
0x138: {  	_ = 	snop  }
0x139: {  	[tilespmem:s28], [sflag:$0x1] =	stream.indirect_vreg.gather [hbm4b:s1+s7], $0x80, v9, vm1, $0xb8;
	[tilespmem:$0x6530] =	vst v63  }
0x13a: {  	_ = 	snop  }
0x13b: {  	[tilespmem:s29], [sflag:$0x1] =	stream.indirect_vreg.gather [hbm4b:s12+s7], $0x80, v9, vm1, $0xb8;
	[tilespmem:$0x6530] =	vst v63  }
0x13c: {  	_ =	swait.ge [sflag:s18], $0x2000  }
.Ltmp13:
0x13d: {  	[sflag:s18] =	ssyncset.done $0x0;
	(pc) =	sbr.rel @p5 .LBB2_23-.Ltmp13, $4  }
0x13e: {  	[sflag:s18] =	ssyncadd.s32 $0xFFFFE000  }
0x13f: {  	[hbm4b:s0+s7] =	stream.linear.scatter [tilespmem:s25], [sflag:$0x2], $0x2000, $0x38;
	[tilespmem:$0x6530] =	vst v63  }
0x140: {  	s8 =	sshra.s32 s10, $0x2;
	_ =	swait.ge [sflag:s17], $0x2000  }
0x141: {  	s6 =	smov.u32 s2;
	s0 =	sadd.s32 $0x400, s0;
	[sflag:s17] =	ssyncset.done $0x0  }
0x142: {  	s2 =	sadd.s32 s8, s15;
	[sflag:s17] =	ssyncadd.s32 $0xFFFFE000  }
0x143: {  	[tilespmem:s24], [sflag:$0x2] =	stream.linear.gather [spmem:s2], $0x10, $0x38;
	[tilespmem:$0x6530] =	vst v63  }
0x144: {  	_ =	swait.ge [sflag:s17], $0x10  }
0x145: {  	[sflag:s17] =	ssyncset.done $0x0  }
0x146: {  	[sflag:s17] =	ssyncadd.s32 $0xFFFFFFF0  }
0x147: {  	v9 =	vld [tilespmem:$0x4200];
	_ =	sdelay $0x4  }
0x148: {  	vm3 =	vlt.s32 v9, $0x1FFF  }
0x149: {  	v9 =	vnsel vm3, $0x1FFF, v9  }
0x14a: {  	v10 =	vshll.u32 v9, $0x2  }
0x14b: {  	v11 =	vand.u32 $0x7, v9;
	v10 =	vand.u32 $0xFFFFFFE0, v10  }
0x14c: {  	v10 =	vor.u32 v11, v10  }
0x14d: {  	v11 =	vperm.xlane v10, v6;
	_ =	sdelay $0x1  }
0x14e: {  	v11 =	vadd.s32 v7, v11;
	_ =	sdelay $0x1  }
0x14f: {  	v10 =	vperm.xlane v10, v8;
	_ =	sdelay $0x1  }
0x150: {  	[tilespmem:$0x4200] =	vst v9;
	v9 =	vadd.s32 v7, v10  }
0x151: {  	[tilespmem:s25], [sflag:$0x1] =	stream.indirect_vreg.gather [hbm4b:s1+s7], $0x80, v11, vm1, $0xb8;
	[tilespmem:$0x6530] =	vst v63  }
0x152: {  	_ = 	snop  }
0x153: {  	[tilespmem:s26], [sflag:$0x1] =	stream.indirect_vreg.gather [hbm4b:s12+s7], $0x80, v11, vm1, $0xb8;
	[tilespmem:$0x6530] =	vst v63  }
0x154: {  	_ = 	snop  }
0x155: {  	[tilespmem:s28], [sflag:$0x1] =	stream.indirect_vreg.gather [hbm4b:s1+s7], $0x80, v9, vm1, $0xb8;
	[tilespmem:$0x6530] =	vst v63  }
0x156: {  	_ = 	snop  }
0x157: {  	[tilespmem:s29], [sflag:$0x1] =	stream.indirect_vreg.gather [hbm4b:s12+s7], $0x80, v9, vm1, $0xb8;
	[tilespmem:$0x6530] =	vst v63  }
0x158: {  	s30 =	sadd.s32 $0x1, s30;
	_ =	swait.ge [sflag:s18], $0x2000  }
0x159: {  	p5 =	sne.s32 s30, s13;
	[sflag:s18] =	ssyncset.done $0x0  }
.Ltmp14:
0x15a: {  	[sflag:s18] =	ssyncadd.s32 $0xFFFFE000;
	(pc) =	sbr.rel @p5 .LBB2_1-.Ltmp14, $4  }
0x15b: {  	[hbm4b:s0+s7] =	stream.linear.scatter [tilespmem:s25], [sflag:$0x2], $0x2000, $0x38;
	[tilespmem:$0x6530] =	vst v63  }
0x15c: {  	_ =	swait.ge [sflag:s17], $0x2000  }
0x15d: {  	[sflag:s17] =	ssyncset.done $0x0  }
0x15e: {  	[sflag:s17] =	ssyncadd.s32 $0xFFFFE000  }
0x15f: {  	_ =	sfence.sel $0x180000  }
0x160: {  	[bflag:$0x0] =	sbarrier.arrive $0xFFFF  }
0x161: {  	_ =	strace $0x90000047  }
0x162: {  	[bflag:$0x2] =	sbarrier.arrive $0xFFFF  }
0x163: {  	s0 =	rddreg [dreg:$0x7]  }
0x164: {  	s0 =	sadd.s32 @!p0 $0x100000, s0  }
0x165: {  	[sflag:s0] =	ssyncadd.tile.s32 @!p0 $0x1;
	_ =	shalt  }
.Lfunc_end2:
_tile_overlayer_lowered:
.L_overlay_start_2:
0x166: {  	(tag) =	ssettag $0x2  }
0x167: {  	s0 =	rddreg [dreg:$0x0];
	s2 =	stileid.u32  }
0x168: {  	s1 =	rddreg [dreg:$0x1];
	p0 =	sne.s32 s2, $0x0  }
0x169: {  	s3 =	rddreg [dreg:$0x2];
	[bflag:$0x3] =	sbarrier.arrive $0xFFFF;
	s2 =	simm.s32 @!p0 $0x1C02  }
0x16a: {  	[timem:s3], [sflag:s2] =	dma.local @!p0 [hbm:s0], s1  }
0x16b: {  	s0 =	simm.s32 @!p0 $0x2  }
0x16c: {  	_ =	swait.ge @!p0 [sflag:s0], s1  }
0x16d: {  	s1 =	ssub.s32 @!p0 $0x0, s1;
	[sflag:s0] =	ssyncset.done @!p0 $0x0  }
0x16e: {  	[sflag:s0] =	ssyncadd.s32 @!p0 s1  }
0x16f: {  	[bflag:$0x3] =	sbarrier.arrive $0xFFFF  }
0x170: {  	_ =	shalt  }

// kernel: kernel.9.cloned.1.call-start
scs
__scs_entry_jumppad:
0x0: {  	(pc) =	sbr.rel $0x88, $3  }
0x1: {  	(tag) =	ssettag $0x0;
	lr =	simm.s32 $0x1  }
0x2: {  	[smem:$0x3F9C] =	sst lr;
	_ =	strace $0xD0000000  }
0x3: {  	_ = 	snop  }
0x4: {  	_ = 	snop  }
0x5: {  	_ = 	snop  }
0x6: {  	_ = 	snop  }
0x7: {  	_ = 	snop  }
__scs_overlays_trampoline_lowered:
0x8: {  	[smem:$0x3FAB] =	sst s0  }
0x9: {  	[smem:$0x3FAC] =	sst s1  }
0xa: {  	[smem:$0x3FAD] =	sst s2  }
0xb: {  	[smem:$0x3FAE] =	sst s3  }
0xc: {  	[smem:$0x3FAF] =	sst s4  }
0xd: {  	[smem:$0x3FB0] =	sst s5  }
0xe: {  	[smem:$0x3FB1] =	sst s6  }
0xf: {  	[smem:$0x3FB2] =	sst s7  }
0x10: {  	[smem:$0x3FB3] =	sst s8  }
0x11: {  	[smem:$0x3FB4] =	sst s9;
	s0 =	simm.s32 @!p0 $0x0  }
0x12: {  	s1 =	sld [smem:$0x3F9A];
	s0 =	simm.s32 @p0 $0x1  }
0x13: {  	[smem:$0x3FB5] =	sst s0;
	s0 =	simm.s32 @!p1 $0x0  }
0x14: {  	s2 =	sld [smem:$0x3F99];
	s0 =	simm.s32 @p1 $0x1  }
0x15: {  	[smem:$0x3FB6] =	sst s0;
	s0 =	simm.s32 @!p2 $0x0  }
0x16: {  	s3 =	sld [smem:$0x3FDB];
	s0 =	simm.s32 @p2 $0x1  }
0x17: {  	s4 =	simm.s32 $0x1BF5;
	[smem:$0x3FB8] =	sst s0  }
0x18: {  	s0 =	sld [smem:$0x3F9B];
	_ =	swait.ge [sflag:s4], $0x0  }
0x19: {  	s7 =	sld [smem:$0x3F9C]  }
0x1a: {  	s8 =	sadd.s32 $0xFFFFE003, lr  }
0x1b: {  	s9 =	sadd.s32 $0xFFFFFEF7, lr;
	s5 =	simm.s32 $0xFFFFFFFF;
	p2 =	slt.u32 s8, $0xFFFFF086  }
0x1c: {  	p1 =	slt.u32 s9, $0xF7A;
	s5 =	simm.s32 @!p2 $0x0  }
0x1d: {  	s5 =	simm.s32 @p1 $0x1;
	p0 =	seq.s32 s7, s2  }
0x1e: {  	s7 =	smul.u32 @!p0 $0xF7A, s2;
	p2 =	seq.s32 @!p0 s5, $0x0  }
0x1f: {  	s9 =	smul.u32 $0xF7A, s1;
	s8 =	simm.s32 @!p0 $0x1BF5;
	p2 =	por !p2, p0  }
0x20: {  	[sflag:s8] =	ssyncset.s32 @!p0 $0xFFFFF086;
	s6 =	sadd.s32 @!p0 s3, s7;
	s7 =	simm.s32 @!p0 $0x108  }
0x21: {  	s3 =	sadd.s32 s3, s9;
	s6 =	sadd.s32 @!p0 $0x88, s6;
	s7 =	simm.s32 @p2 $0x1082  }
0x22: {  	[simem:s7], [sflag:s8] =	dma.local @!p0 [hbm:s6], $0xF7A  }
0x23: {  	s9 =	sor.u32 $0xD0000000, s2;
	s6 =	simm.s32 $0x108;
	_ =	swait.ge @!p0 [sflag:s8], $0x0  }
0x24: {  	s3 =	sadd.s32 $0x88, s3;
	s6 =	simm.s32 @!p1 $0x1082;
	[sflag:s4] =	ssyncset.s32 $0xFFFFF086  }
0x25: {  	[simem:s6], [sflag:s4] =	dma.local [hbm:s3], $0xF7A  }
0x26: {  	[smem:$0x3F9C] =	sst s1;
	(tag) =	ssettag s2;
	_ =	strace s9  }
0x27: {  	s1 =	sld [smem:$0x3FAC]  }
0x28: {  	s2 =	sld [smem:$0x3FAD]  }
0x29: {  	s4 =	sld [smem:$0x3FAF]  }
0x2a: {  	p0 =	seq.s32 s5, $0x0;
	s5 =	sld [smem:$0x3FB0]  }
0x2b: {  	s6 =	sld [smem:$0x3FB1]  }
0x2c: {  	s7 =	sld [smem:$0x3FB2]  }
0x2d: {  	s3 =	simm.s32 $0x108;
	s8 =	sld [smem:$0x3FB3]  }
0x2e: {  	s3 =	simm.s32 @!p0 $0x1082;
	s9 =	sld [smem:$0x3FB4]  }
0x2f: {  	lr =	sadd.s32 s0, s3;
	s0 =	sld [smem:$0x3FAB]  }
0x30: {  	s3 =	sld [smem:$0x3FAE]  }
0x31: {  	[smem:$0x3FB7] =	sst s10  }
0x32: {  	s10 =	sld [smem:$0x3FB5];
	_ =	sdelay $0x3  }
0x33: {  	p0 =	seq.s32 s10, $0x1;
	s10 =	sld [smem:$0x3FB7];
	_ =	sdelay $0x3  }
0x34: {  	[smem:$0x3FB7] =	sst s10  }
0x35: {  	s10 =	sld [smem:$0x3FB6];
	_ =	sdelay $0x3  }
0x36: {  	p1 =	seq.s32 s10, $0x1;
	s10 =	sld [smem:$0x3FB7];
	_ =	sdelay $0x3  }
0x37: {  	[smem:$0x3FB7] =	sst s10  }
0x38: {  	s10 =	sld [smem:$0x3FB8]  }
0x39: {  	_ = 	snop;
	(pc) =	sbr.ind lr, $3  }
0x3a: {  	_ = 	snop  }
0x3b: {  	_ = 	snop  }
0x3c: {  	p2 =	seq.s32 s10, $0x1;
	s10 =	sld [smem:$0x3FB7]  }
0x3d: {  	_ =	shalt  }
0x3e: {  	_ =	shalt  }
0x3f: {  	_ =	shalt  }
0x40: {  	_ =	shalt  }
0x41: {  	_ =	shalt  }
0x42: {  	_ =	shalt  }
0x43: {  	_ =	shalt  }
0x44: {  	_ =	shalt  }
0x45: {  	_ =	shalt  }
0x46: {  	_ =	shalt  }
0x47: {  	_ =	shalt  }
0x48: {  	_ =	shalt  }
0x49: {  	_ =	shalt  }
0x4a: {  	_ =	shalt  }
0x4b: {  	_ =	shalt  }
0x4c: {  	_ =	shalt  }
0x4d: {  	_ =	shalt  }
0x4e: {  	_ =	shalt  }
0x4f: {  	_ =	shalt  }
0x50: {  	_ =	shalt  }
0x51: {  	_ =	shalt  }
0x52: {  	_ =	shalt  }
0x53: {  	_ =	shalt  }
0x54: {  	_ =	shalt  }
0x55: {  	_ =	shalt  }
0x56: {  	_ =	shalt  }
0x57: {  	_ =	shalt  }
0x58: {  	_ =	shalt  }
0x59: {  	_ =	shalt  }
0x5a: {  	_ =	shalt  }
0x5b: {  	_ =	shalt  }
0x5c: {  	_ =	shalt  }
0x5d: {  	_ =	shalt  }
0x5e: {  	_ =	shalt  }
0x5f: {  	_ =	shalt  }
0x60: {  	_ =	shalt  }
0x61: {  	_ =	shalt  }
0x62: {  	_ =	shalt  }
0x63: {  	_ =	shalt  }
0x64: {  	_ =	shalt  }
0x65: {  	_ =	shalt  }
0x66: {  	_ =	shalt  }
0x67: {  	_ =	shalt  }
0x68: {  	_ =	shalt  }
0x69: {  	_ =	shalt  }
0x6a: {  	_ =	shalt  }
0x6b: {  	_ =	shalt  }
0x6c: {  	_ =	shalt  }
0x6d: {  	_ =	shalt  }
0x6e: {  	_ =	shalt  }
0x6f: {  	_ =	shalt  }
0x70: {  	_ =	shalt  }
0x71: {  	_ =	shalt  }
0x72: {  	_ =	shalt  }
0x73: {  	_ =	shalt  }
0x74: {  	_ =	shalt  }
0x75: {  	_ =	shalt  }
0x76: {  	_ =	shalt  }
0x77: {  	_ =	shalt  }
0x78: {  	_ =	shalt  }
0x79: {  	_ =	shalt  }
0x7a: {  	_ =	shalt  }
0x7b: {  	_ =	shalt  }
0x7c: {  	_ =	shalt  }
0x7d: {  	_ =	shalt  }
0x7e: {  	_ =	shalt  }
0x7f: {  	_ =	shalt  }
0x80: {  	_ =	shalt  }
0x81: {  	_ =	shalt  }
0x82: {  	_ =	shalt  }
0x83: {  	_ =	shalt  }
0x84: {  	_ =	shalt  }
0x85: {  	_ =	shalt  }
0x86: {  	_ =	shalt  }
0x87: {  	_ =	shalt  }
.Lfunc_end0:
.L_simem_size_0:
called_computation.1_lowered:
.L_overlay_start_0:
0x88: {  	s2 =	sld [smem:$0x3FD9]  }
0x89: {  	s3 =	sld [smem:$0x3FFE];
	_ =	sdelay $0x1  }
0x8a: {  	s1 =	srdreg.scid  }
0x8b: {  	s0 =	sand.u32 $0x1, s1  }
0x8c: {  	s14 =	sshll.u32 s0, $0xA;
	s2 =	sadd.s32 s3, s2  }
0x8d: {  	s2 =	sadd.s32 s2, s14  }
0x8e: {  	[smem:$0x3FC3] =	sst s2  }
0x8f: {  	_ = 	snop  }
0x90: {  	s2 =	sld [smem:$0x3FD0];
	_ =	sdelay $0x2  }
0x91: {  	s15 =	simm.s32 $0xA;
	s4 =	simm.s32 $0x10  }
0x92: {  	[smem:s4], [sflag:s15] =	dma.local [hbm:s2], $0x1  }
0x93: {  	_ =	swait.eq [sflag:s15], $0x1  }
0x94: {  	[sflag:s15] =	ssyncset.done $0x0  }
0x95: {  	[sflag:s15] =	ssyncadd.s32 $0xFFFFFFFF  }
0x96: {  	s16 =	sld [smem:$0x12];
	(tm) =	ssettm $0x1  }
0x97: {  	s17 =	sld [smem:$0x3FFB];
	_ =	sdelay $0x3  }
0x98: {  	_ =	strace s17  }
0x99: {  	s3 =	sld [smem:$0x3FFC];
	_ =	sdelay $0x3  }
0x9a: {  	_ =	strace s3  }
0x9b: {  	s3 =	sld [smem:$0x3FFD];
	_ =	sdelay $0x3  }
0x9c: {  	_ =	strace s3  }
0x9d: {  	_ =	strace $0x8FFFFFFF  }
0x9e: {  	s18 =	sld [smem:$0x3FDB];
	_ =	sdelay $0x1  }
0x9f: {  	s19 =	simm.s32 $_scs_section_size  }
0xa0: {  	s5 =	simm.s32 $_size__tile_overlayer_lowered;
	s6 =	simm.s32 $_tile_overlayer_lowered  }
0xa1: {  	s22 =	simm.s32 $0x1BFF;
	s21 =	sshll.u32 s6, $0x1;
	s3 =	sadd.s32 s19, s18  }
0xa2: {  	s7 =	simm.s32 $0x0;
	s20 =	sshll.u32 s5, $0x1;
	s5 =	sadd.s32 s21, s3  }
0xa3: {  	[timem:s7], [sflag:s22] =	dma.local [hbm:s5], s20  }
0xa4: {  	_ =	swait.ge [sflag:s22], s20  }
0xa5: {  	s4 =	ssub.s32 $0x0, s20;
	[sflag:s22] =	ssyncset.done $0x0  }
0xa6: {  	[sflag:s22] =	ssyncadd.s32 s4;
	_ =	sdelay $0x1  }
0xa7: {  	s23 =	simm.s32 $0x1B8B  }
0xa8: {  	_ =	swait.ge [sflag:s23], $0x1  }
0xa9: {  	[sflag:s23] =	ssyncset.done $0x0  }
0xaa: {  	s25 =	simm.s32 $0x1B8E;
	s24 =	sld [smem:$0x3FFE];
	[sflag:s23] =	ssyncadd.s32 $0xFFFFFFFF  }
0xab: {  	s26 =	simm.s32 $execute0_lowered;
	[smem:$0x3FD2] =	sst s25  }
0xac: {  	s5 =	sshll.u32 s26, $0x1;
	_ =	strace $0x80000049;
	[dreg:$0x1] =	wrdreg $0xFFFFFFFF  }
0xad: {  	s28 =	simm.s32 $_size_execute0_lowered;
	s3 =	sadd.s32 s3, s5;
	[dreg:$0x0] =	wrdreg $0x0  }
0xae: {  	s5 =	sshll.u32 s28, $0x1;
	[dreg:$0x2] =	wrdreg s3  }
0xaf: {  	[dreg:$0x3] =	wrdreg s5  }
0xb0: {  	[dreg:$0x4] =	wrdreg $0xC0  }
0xb1: {  	_ =	task [dreg:s7], $0x5FFFF  }
0xb2: {  	[dreg:$0x1] =	wrdreg $0xFFFFFFFF  }
0xb3: {  	[dreg:$0x0] =	wrdreg $0x60  }
0xb4: {  	[dreg:$0x2] =	wrdreg s16  }
0xb5: {  	[dreg:$0x3] =	wrdreg s24  }
0xb6: {  	[dreg:$0x4] =	wrdreg $0x9  }
0xb7: {  	_ =	task.clear_ibuf [dreg:s7], $0x5FFFF;
	_ =	strace $0x90000049  }
0xb8: {  	s29 =	simm.s32 $0x9;
	_ =	strace $0x8000004B  }
0xb9: {  	_ =	swait.ge [sflag:s29], $0x1  }
0xba: {  	[sflag:s29] =	ssyncadd.s32 $0xFFFFFFFF  }
0xbb: {  	_ =	strace $0x9000004B  }
0xbc: {  	_ =	sfence  }
0xbd: {  	s30 =	sld [smem:$0x0];
	_ =	sdelay $0x2  }
0xbe: {  	s31 =	sshll.u32 s1, $0xD;
	s1 =	sshrl.u32 s1, $0x2  }
0xbf: {  	s3 =	sand.u32 $0x4000, s31;
	s1 =	sadd.s32 s1, s30  }
0xc0: {  	s0 =	sor.u32 s3, s0;
	s1 =	sshll.u32 s1, $0x11  }
0xc1: {  	s0 =	sor.u32 s1, s0  }
0xc2: {  	s0 =	sadd.s32 $0x8F2B, s0  }
0xc3: {  	[sflag:s0] =	ssyncadd.remote.s32 $0x1  }
0xc4: {  	_ =	sfence.sel $0xFFFF  }
0xc5: {  	[dreg:$0x0] =	wrdreg $0xFFFFFFFF;
	(pc) =	sbr.abs _section_cstart, $3  }
0xc6: {  	[dreg:$0x1] =	wrdreg $0xFFFFFFFF  }
0xc7: {  	_ =	task.clear_ibuf [dreg:s7], $0x2FFFF;
	_ =	strace $0x9FFFFFFF  }
0xc8: {  	(tm) =	ssettm $0x7FFFFFFF  }
0xc9: {  	_ =	shalt  }
tec
execute0_lowered:
.L_overlay_start_1:
0x0: {  	(tag) =	ssettag $0x1  }
0x1: {  	s6 =	rddreg [dreg:$0x0];
	s0 =	stileid.u32  }
0x2: {  	s1 =	srdreg.scid;
	s3 =	rddreg [dreg:$0x1];
	s2 =	simm.s32 $0x0  }
0x3: {  	s4 =	smul.u32 $0x2A00, s0;
	s5 =	sand.u32 $0x1, s1;
	s1 =	rddreg [dreg:$0x2]  }
0x4: {  	s11 =	simm.s32 $0x0;
	[smem:$0x7FF] =	sst s2;
	s8 =	smul.u32 $0x2A0, s0  }
0x5: {  	s7 =	smul.u32 $0x1500, s5;
	_ =	strace $0x8000004A;
	s9 =	ssub.s32 $0x2, s5  }
0x6: {  	s5 =	smul.u32 $0x150, s5;
	s4 =	sadd.s32 s4, s3;
	s10 =	sshrl.u32 s9, $0x1  }
0x7: {  	s3 =	sadd.s32 $0x2B400, s3;
	s9 =	ssub.s32 s9, s10;
	s7 =	sadd.s32 s7, s4  }
0x8: {  	s8 =	sadd.s32 s5, s8;
	s10 =	simm.s32 $0x1;
	s4 =	smax.u32 s9, $0x1  }
0x9: {  	s5 =	sadd.s32 $0x1400, s7;
	s31 =	sshrl.u32 s8, $0x3;
	s7 =	simm.s32 $0x2  }
0xa: {  	s8 =	simm.s32 $0x80;
	s9 =	simm.s32 $0x10;
	s6 =	sadd.s32 s31, s6  }
.LBB2_1:
0xb: {  	s12 =	sadd.s32 $0x0, s6  }
0xc: {  	[tilespmem:s2], [sflag:$0x2] =	stream.linear.gather [hbm4b:s12+s2], $0x10, $0x38;
	[tilespmem:$0x880] =	vst v63  }
0xd: {  	_ =	swait.ge [sflag:s7], $0x10  }
0xe: {  	[sflag:s7] =	ssyncset.done $0x0  }
0xf: {  	[sflag:s7] =	ssyncadd.s32 $0xFFFFFFF0  }
0x10: {  	[tilespmem:s8], [sflag:$0x2] =	stream.linear.gather [hbm4b:s5+s2], $0x800, $0x38;
	[tilespmem:$0x880] =	vst v63  }
0x11: {  	_ =	swait.ge [sflag:s7], $0x800  }
0x12: {  	[sflag:s7] =	ssyncset.done $0x0  }
0x13: {  	[sflag:s7] =	ssyncadd.s32 $0xFFFFF800  }
0x14: {  	[hbm4b:s3+s9] =	stream.indirect.scatter [tilespmem:s8], [sflag:$0x1], $0x80, s2, s9, $0xb8;
	[tilespmem:$0x880] =	vst v63  }
0x15: {  	s13 =	simm.s32 $0x2;
	_ =	swait.ge [sflag:s10], $0x800  }
0x16: {  	s14 =	simm.s32 $0x4;
	s12 =	sadd.s32 $0x100, s5;
	[sflag:s10] =	ssyncset.done $0x0  }
.LBB2_2:
0x17: {  	s15 =	sadd.s32 s13, s6  }
0x18: {  	[sflag:s10] =	ssyncadd.s32 $0xFFFFF800;
	s13 =	smov.u32 s14;
	s16 =	sadd.s32 $0x2, s14  }
0x19: {  	[tilespmem:s2], [sflag:$0x2] =	stream.linear.gather [hbm4b:s15+s2], $0x10, $0x38;
	[tilespmem:$0x880] =	vst v63  }
0x1a: {  	p0 =	sne.s32 s14, $0x28;
	_ =	swait.ge [sflag:s7], $0x10  }
0x1b: {  	[sflag:s7] =	ssyncset.done $0x0  }
0x1c: {  	[sflag:s7] =	ssyncadd.s32 $0xFFFFFFF0  }
0x1d: {  	[tilespmem:s8], [sflag:$0x2] =	stream.linear.gather [hbm4b:s12+s2], $0x800, $0x38;
	[tilespmem:$0x880] =	vst v63  }
0x1e: {  	_ =	swait.ge [sflag:s7], $0x800  }
.Ltmp0:
0x1f: {  	[sflag:s7] =	ssyncset.done $0x0;
	(pc) =	sbr.rel @p0 .LBB2_2-.Ltmp0, $4  }
0x20: {  	[sflag:s7] =	ssyncadd.s32 $0xFFFFF800  }
0x21: {  	[hbm4b:s3+s9] =	stream.indirect.scatter [tilespmem:s8], [sflag:$0x1], $0x80, s2, s9, $0xb8;
	[tilespmem:$0x880] =	vst v63  }
0x22: {  	_ =	swait.ge [sflag:s10], $0x800  }
0x23: {  	s14 =	smov.u32 s16;
	s12 =	sadd.s32 $0x100, s12;
	[sflag:s10] =	ssyncset.done $0x0  }
0x24: {  	s13 =	sadd.s32 s13, s6;
	[sflag:s10] =	ssyncadd.s32 $0xFFFFF800  }
0x25: {  	[tilespmem:s2], [sflag:$0x2] =	stream.linear.gather [hbm4b:s13+s2], $0x10, $0x38;
	[tilespmem:$0x880] =	vst v63  }
0x26: {  	_ =	swait.ge [sflag:s7], $0x10  }
0x27: {  	[sflag:s7] =	ssyncset.done $0x0  }
0x28: {  	[sflag:s7] =	ssyncadd.s32 $0xFFFFFFF0  }
0x29: {  	[tilespmem:s8], [sflag:$0x2] =	stream.linear.gather [hbm4b:s12+s2], $0x800, $0x38;
	[tilespmem:$0x880] =	vst v63  }
0x2a: {  	s11 =	sadd.s32 $0x1, s11;
	_ =	swait.ge [sflag:s7], $0x800  }
0x2b: {  	p0 =	sne.s32 s11, s4;
	[sflag:s7] =	ssyncset.done $0x0  }
.Ltmp1:
0x2c: {  	[sflag:s7] =	ssyncadd.s32 $0xFFFFF800;
	(pc) =	sbr.rel @p0 .LBB2_1-.Ltmp1, $4  }
0x2d: {  	[hbm4b:s3+s9] =	stream.indirect.scatter [tilespmem:s8], [sflag:$0x1], $0x80, s2, s9, $0xb8;
	[tilespmem:$0x880] =	vst v63  }
0x2e: {  	_ =	swait.ge [sflag:s10], $0x800  }
0x2f: {  	[sflag:s10] =	ssyncset.done $0x0  }
0x30: {  	[sflag:s10] =	ssyncadd.s32 $0xFFFFF800  }
0x31: {  	_ =	sfence.sel $0x180000  }
0x32: {  	[bflag:$0x0] =	sbarrier.arrive $0xFFFF  }
0x33: {  	p0 =	sne.s32 s0, $0x0;
	_ =	strace $0x9000004A  }
0x34: {  	s0 =	sadd.s32 @!p0 $0x100000, s1;
	[bflag:$0x2] =	sbarrier.arrive $0xFFFF  }
0x35: {  	[sflag:s0] =	ssyncadd.tile.s32 @!p0 $0x1;
	_ =	shalt  }
.Lfunc_end2:
_tile_overlayer_lowered:
.L_overlay_start_2:
0x36: {  	(tag) =	ssettag $0x2  }
0x37: {  	s0 =	rddreg [dreg:$0x0];
	s2 =	stileid.u32  }
0x38: {  	s1 =	rddreg [dreg:$0x1];
	p0 =	sne.s32 s2, $0x0  }
0x39: {  	s3 =	rddreg [dreg:$0x2];
	[bflag:$0x3] =	sbarrier.arrive $0xFFFF;
	s2 =	simm.s32 @!p0 $0x1C02  }
0x3a: {  	[timem:s3], [sflag:s2] =	dma.local @!p0 [hbm:s0], s1  }
0x3b: {  	s0 =	simm.s32 @!p0 $0x2  }
0x3c: {  	_ =	swait.ge @!p0 [sflag:s0], s1  }
0x3d: {  	s1 =	ssub.s32 @!p0 $0x0, s1;
	[sflag:s0] =	ssyncset.done @!p0 $0x0  }
0x3e: {  	[sflag:s0] =	ssyncadd.s32 @!p0 s1  }
0x3f: {  	[bflag:$0x3] =	sbarrier.arrive $0xFFFF  }
0x40: {  	_ =	shalt  }

</sc_bundles>
